<compile_context>
chip_gen: v7x
topology: tpu7x:2x2x1
jax: 0.10.2.dev20260603
libtpu: 0.0.44.dev20260713+nightly
codegen_flags: <defaults>
</compile_context>

<pallas_src>
import functools

import jax
import jax.numpy as jnp
from jax import lax
from jax.experimental import pallas as pl
from jax.experimental.pallas import tpu as pltpu
from jax.experimental.pallas import tpu_sc as plsc

K_NB = 16
R2 = 0.2 * 0.2
LANES = 16
NUM_CORES = 2
NUM_SUBCORES = 16
NUM_TILES = NUM_CORES * NUM_SUBCORES


def _build_sc_kernel(B, N, C):
    assert (B * N) % NUM_TILES == 0 and N % LANES == 0
    q_per_tile = (B * N) // NUM_TILES
    tiles_per_batch = NUM_TILES // B
    nchunk = N // LANES
    GROUP = 16
    assert nchunk % GROUP == 0
    ngroups = nchunk // GROUP

    mesh = plsc.VectorSubcoreMesh(
        core_axis_name="c", subcore_axis_name="s",
        num_cores=NUM_CORES, num_subcores=NUM_SUBCORES)

    @functools.partial(
        pl.kernel,
        out_type=jax.ShapeDtypeStruct((NUM_TILES * LANES,), jnp.float32),
        mesh=mesh,
        compiler_params=pltpu.CompilerParams(
            use_tc_tiling_on_sc=False, needs_layout_passes=False),
        scratch_types=[
            pltpu.VMEM((3, N), jnp.float32),
            pltpu.VMEM((C * N,), jnp.float32),
            pltpu.VMEM((304,), jnp.int32),
            pltpu.VMEM((q_per_tile * LANES,), jnp.int32),
            pltpu.VMEM((LANES,), jnp.float32),
            pltpu.SemaphoreType.DMA,
        ],
    )
    def ballq(pc_hbm, mask_hbm, out_hbm, pc_v, mask_flat, idx_v, idxall_v,
              acc_v, sem):
        cid = lax.axis_index("c")
        sid = lax.axis_index("s")
        wid = sid * NUM_CORES + cid
        b = wid // tiles_per_batch
        qbase = (wid % tiles_per_batch) * q_per_tile

        mask_copy = pltpu.async_copy(mask_hbm.at[b], mask_flat, sem)
        pltpu.sync_copy(pc_hbm.at[b], pc_v)

        idx_v[pl.ds(0, LANES)] = jnp.zeros((LANES,), jnp.int32)

        iota = lax.iota(jnp.int32, LANES)

        def per_query(qi, total):
            q = qbase + qi
            qsplat = jnp.full((LANES,), q, jnp.int32)
            d0 = jnp.zeros((LANES,), jnp.int32)
            qx = plsc.load_gather(pc_v, [d0, qsplat])
            qy = plsc.load_gather(pc_v, [d0 + 1, qsplat])
            qz = plsc.load_gather(pc_v, [d0 + 2, qsplat])

            def scan_cond(carry):
                group, ptr = carry
                return jnp.logical_and(ptr < K_NB, group < ngroups)

            def scan_body(carry):
                group, ptr = carry
                gbase = group * (GROUP * LANES)
                ones = jnp.ones((LANES,), jnp.int32)

                @plsc.parallel_loop(0, GROUP, 1, unroll=GROUP,
                                    carry=jnp.full((LANES,), ptr - 1, jnp.int32))
                def run_loop(j, run_m1):
                    base = gbase + j * LANES
                    dx = pc_v[0, pl.ds(base, LANES)] - qx
                    dy = pc_v[1, pl.ds(base, LANES)] - qy
                    dz = pc_v[2, pl.ds(base, LANES)] - qz
                    d2 = dx * dx + dy * dy + dz * dz
                    m = d2 < R2
                    pos = run_m1 + plsc.cumsum(ones, mask=m)
                    plsc.store_scatter(idx_v, [pos], iota + base, mask=m)
                    return run_m1 + plsc.all_reduce_population_count(m)

                return group + 1, run_loop[0] + 1

            _, found = lax.while_loop(
                scan_cond, scan_body, (jnp.int32(0), jnp.int32(0)))

            cnt16 = jnp.minimum(jnp.maximum(found, 1), K_NB)
            idxv = idx_v[pl.ds(0, LANES)]
            valid = iota < cnt16
            first = idxv[0]
            idxall_v[pl.ds(qi * LANES, LANES)] = jnp.where(valid, idxv, first)
            return total

        lax.fori_loop(0, q_per_tile, per_query, jnp.int32(0))
        mask_copy.wait()

        def per_query_gather(qi, total):
            q = qbase + qi
            half = (C // 2) * N
            idx_c0 = idxall_v[pl.ds(qi * LANES, LANES)]
            q_c0 = jnp.full((LANES,), q, jnp.int32)
            idx_c1 = idx_c0 + half
            q_c1 = q_c0 + half
            acc0 = jnp.zeros((LANES,), jnp.float32)
            acc1 = jnp.zeros((LANES,), jnp.float32)
            for c in range(C // 2):
                nm0 = plsc.load_gather(mask_flat, [idx_c0])
                qm0 = plsc.load_gather(mask_flat, [q_c0])
                nm1 = plsc.load_gather(mask_flat, [idx_c1])
                qm1 = plsc.load_gather(mask_flat, [q_c1])
                acc0 = acc0 + jnp.abs(nm0 - qm0)
                acc1 = acc1 + jnp.abs(nm1 - qm1)
                if c + 1 < C // 2:
                    idx_c0 = idx_c0 + N
                    q_c0 = q_c0 + N
                idx_c1 = idx_c1 + N
                q_c1 = q_c1 + N
            if C % 2:
                nm1 = plsc.load_gather(mask_flat, [idx_c1])
                qm1 = plsc.load_gather(mask_flat, [q_c1])
                acc1 = acc1 + jnp.abs(nm1 - qm1)
            return total + acc0 + acc1

        total = lax.fori_loop(0, q_per_tile, per_query_gather,
                              jnp.zeros((LANES,), jnp.float32))
        acc_v[...] = total
        pltpu.sync_copy(acc_v, out_hbm.at[pl.ds(wid * LANES, LANES)])

    return ballq


def kernel(pc, mask):
    B, N, _ = pc.shape
    C = mask.shape[-1]
    pcT = jnp.transpose(pc, (0, 2, 1))
    maskT = jnp.transpose(mask, (0, 2, 1)).reshape(B, C * N)
    partial = _build_sc_kernel(B, N, C)(pcT, maskT)
    return jnp.sum(partial) / (B * N * K_NB)

# --- scband reference (transcript-rebuilt; emitter-appended) ---
"""Pipeline reference for scband-ball-qloss-12841952215429 (READ-ONLY COPY).

The authoritative reference and input builder live on the scoring server;
editing this copy changes nothing except your own understanding.
"""

import jax, jax.numpy as jnp
import numpy as np

K_NEIGHBORS = 16
RADIUS = 0.2


def ball_query(radius, k, xyz, new_xyz):
    # xyz: (B, N, 3) database points, new_xyz: (B, Nq, 3) query points
    # Faithful to the CUDA ball_query: for each query, take the first k point
    # indices (in index order) whose squared distance < radius^2; pad the
    # remaining slots with the first found index (0 if none found).
    d2 = jnp.sum((new_xyz[:, :, None, :] - xyz[:, None, :, :]) ** 2, axis=-1)  # (B, Nq, N)
    within = d2 < radius * radius
    # stable argsort on ~within puts in-ball indices first, in ascending index order
    order = jnp.argsort(jnp.logical_not(within), axis=-1, stable=True)
    idx = order[..., :k]  # (B, Nq, k)
    cnt = jnp.sum(within.astype(jnp.int32), axis=-1)  # (B, Nq)
    first = idx[..., 0]
    pos = jnp.arange(k)
    valid = pos[None, None, :] < jnp.maximum(cnt[..., None], 1)
    idx = jnp.where(valid, idx, first[..., None])
    return idx.astype(jnp.int32)


def grouping_operation(features, idx):
    # features: (B, C, N), idx: (B, Nq, k) -> (B, C, Nq, k)
    return jax.vmap(lambda f, i: f[:, i])(features, idx)


def setup_inputs(seed: int = 0) -> dict:
    key = jax.random.key(seed)
    k1, k2 = jax.random.split(key)
    pc = jax.random.uniform(k1, (2, 4096, 3), dtype=jnp.float32)
    mask = jax.random.uniform(k2, (2, 4096, 20), dtype=jnp.float32)
    return {"pc": pc, "mask": mask}


def reference(pc, mask):
    # mask: (B, N, K) -> (B, K, N)
    m = jnp.transpose(mask, (0, 2, 1))
    idx = ball_query(RADIUS, K_NEIGHBORS, pc, pc)  # (B, N, k), detached (int)
    nn_mask = grouping_operation(m, idx)  # (B, K, N, k)
    diff = m[:, :, :, None] - nn_mask
    # loss_norm = 1: L1 norm over channel dim (dim=1), mean over neighbors
    loss = jnp.sum(jnp.abs(diff), axis=1).mean(axis=-1)  # (B, N)
    return loss.mean()

if __name__ == "__main__":
    import jax
    _d = setup_inputs()
    print(jax.jit(kernel)(*tuple(_d.values())))

</pallas_src>

<mosaic_0001>
#map = affine_map<(d0, d1) -> (0, 0, 0)>
#map1 = affine_map<(d0, d1) -> (0, 0)>
#map2 = affine_map<(d0, d1) -> (0)>
module attributes {stable_mosaic.version = 14 : i64} {
  func.func @ballq(%arg0: i32, %arg1: i32, %arg2: memref<2x3x4096xf32, #tpu.memory_space<hbm>>, %arg3: memref<2x81920xf32, #tpu.memory_space<hbm>>, %arg4: memref<512xf32, #tpu.memory_space<hbm>>, %arg5: memref<3x4096xf32, #tpu.memory_space<vmem>>, %arg6: memref<81920xf32, #tpu.memory_space<vmem>>, %arg7: memref<304xi32, #tpu.memory_space<vmem>>, %arg8: memref<4096xi32, #tpu.memory_space<vmem>>, %arg9: memref<16xf32, #tpu.memory_space<vmem>>, %arg10: memref<!tpu.dma_semaphore, #tpu.memory_space<semaphore_mem>>) attributes {dimension_semantics = [#tpu.dimension_semantics<core_parallel>, #tpu.dimension_semantics<subcore_parallel>], iteration_bounds = array<i64: 2, 16>, scalar_prefetch = 0 : i64, scratch_operands = 6 : i64, tpu.core_type = #tpu.core_type<sc_vector_subcore>, window_params = [{transform_indices = #map}, {transform_indices = #map1}, {transform_indices = #map2}]} {
    %mul3A = arith.constant 2 : i32
    %mul3A_0 = arith.muli %arg1, %mul3A : i32
    %add3A = arith.addi %mul3A_0, %arg0 : i32
    %jit3A = arith.constant 16 : i32
    %div3A = arith.divsi %add3A, %jit3A : i32
    %sign3A = arith.constant 0 : i32
    %sign3A_1 = arith.cmpi sgt, %add3A, %sign3A : i32
    %sign3A_2 = arith.extui %sign3A_1 : i1 to i32
    %sign3A_3 = arith.constant 0 : i32
    %sign3A_4 = arith.cmpi slt, %add3A, %sign3A_3 : i32
    %sign3A_5 = arith.extui %sign3A_4 : i1 to i32
    %sign3A_6 = arith.subi %sign3A_2, %sign3A_5 : i32
    %sign3A_7 = arith.constant 0 : i32
    %sign3A_8 = arith.cmpi sgt, %jit3A, %sign3A_7 : i32
    %sign3A_9 = arith.extui %sign3A_8 : i1 to i32
    %sign3A_10 = arith.constant 0 : i32
    %sign3A_11 = arith.cmpi slt, %jit3A, %sign3A_10 : i32
    %sign3A_12 = arith.extui %sign3A_11 : i1 to i32
    %sign3A_13 = arith.subi %sign3A_9, %sign3A_12 : i32
    %ne3A = arith.cmpi ne, %sign3A_6, %sign3A_13 : i32
    %rem3A = arith.remsi %add3A, %jit3A : i32
    %ne3A_14 = arith.constant 0 : i32
    %ne3A_15 = arith.cmpi ne, %rem3A, %ne3A_14 : i32
    %and3A = arith.andi %ne3A, %ne3A_15 : i1
    %sub3A = arith.constant 1 : i32
    %sub3A_16 = arith.subi %div3A, %sub3A : i32
    %select_n3A = arith.select %and3A, %sub3A_16, %div3A : i32
    %jit3A_17 = arith.constant 16 : i32
    %eq3A = arith.constant 0 : i32
    %eq3A_18 = arith.cmpi eq, %jit3A_17, %eq3A : i32
    %jit3A_19 = arith.constant 1 : i32
    %select_n3A_20 = arith.select %eq3A_18, %jit3A_19, %jit3A_17 : i32
    %rem3A_21 = arith.remsi %add3A, %select_n3A_20 : i32
    %ne3A_22 = arith.constant 0 : i32
    %ne3A_23 = arith.cmpi ne, %rem3A_21, %ne3A_22 : i32
    %lt3A = arith.constant 0 : i32
    %lt3A_24 = arith.cmpi slt, %rem3A_21, %lt3A : i32
    %lt3A_25 = arith.constant 0 : i32
    %lt3A_26 = arith.cmpi slt, %select_n3A_20, %lt3A_25 : i32
    %ne3A_27 = arith.xori %lt3A_24, %lt3A_26 : i1
    %and3A_28 = arith.andi %ne3A_27, %ne3A_23 : i1
    %add3A_29 = arith.addi %rem3A_21, %select_n3A_20 : i32
    %select_n3A_30 = arith.select %and3A_28, %add3A_29, %rem3A_21 : i32
    %mul3A_31 = arith.constant 256 : i32
    %mul3A_32 = arith.muli %select_n3A_30, %mul3A_31 : i32
    %dma_start3A = arith.constant 0 : i32
    %dma_start3A_33 = tpu.memref_slice %arg3[%select_n3A, %dma_start3A] : memref<2x81920xf32, #tpu.memory_space<hbm>> -> memref<1x81920xf32, #tpu.memory_space<hbm>>
    %dma_start3A_34 = tpu.memref_squeeze %dma_start3A_33 : memref<1x81920xf32, #tpu.memory_space<hbm>> -> memref<81920xf32, #tpu.memory_space<hbm>>
    %dma_start3A_35 = arith.constant 0 : i32
    %dma_start3A_36 = tpu.memref_slice %arg3[%select_n3A, %dma_start3A_35] : memref<2x81920xf32, #tpu.memory_space<hbm>> -> memref<1x81920xf32, #tpu.memory_space<hbm>>
    %dma_start3A_37 = tpu.memref_squeeze %dma_start3A_36 : memref<1x81920xf32, #tpu.memory_space<hbm>> -> memref<81920xf32, #tpu.memory_space<hbm>>
    tpu.enqueue_dma source(%dma_start3A_37 : memref<81920xf32, #tpu.memory_space<hbm>>) target(%arg6 : memref<81920xf32, #tpu.memory_space<vmem>>) target_semaphore(%arg10 : memref<!tpu.dma_semaphore, #tpu.memory_space<semaphore_mem>>)
    "tpu.region"() ({
      %run_scoped3A = tpu.sem_alloc : memref<!tpu.dma_semaphore, #tpu.memory_space<semaphore_mem>>
      %dma_start3A_62 = arith.constant 0 : i32
      %dma_start3A_63 = arith.constant 0 : i32
      %dma_start3A_64 = tpu.memref_slice %arg2[%select_n3A, %dma_start3A_62, %dma_start3A_63] : memref<2x3x4096xf32, #tpu.memory_space<hbm>> -> memref<1x3x4096xf32, #tpu.memory_space<hbm>>
      %dma_start3A_65 = tpu.memref_squeeze %dma_start3A_64 : memref<1x3x4096xf32, #tpu.memory_space<hbm>> -> memref<3x4096xf32, #tpu.memory_space<hbm>>
      %dma_start3A_66 = arith.constant 0 : i32
      %dma_start3A_67 = arith.constant 0 : i32
      %dma_start3A_68 = tpu.memref_slice %arg2[%select_n3A, %dma_start3A_66, %dma_start3A_67] : memref<2x3x4096xf32, #tpu.memory_space<hbm>> -> memref<1x3x4096xf32, #tpu.memory_space<hbm>>
      %dma_start3A_69 = tpu.memref_squeeze %dma_start3A_68 : memref<1x3x4096xf32, #tpu.memory_space<hbm>> -> memref<3x4096xf32, #tpu.memory_space<hbm>>
      tpu.enqueue_dma source(%dma_start3A_69 : memref<3x4096xf32, #tpu.memory_space<hbm>>) target(%arg5 : memref<3x4096xf32, #tpu.memory_space<vmem>>) target_semaphore(%run_scoped3A : memref<!tpu.dma_semaphore, #tpu.memory_space<semaphore_mem>>)
      %dma_wait3A_70 = arith.constant 0 : i32
      %dma_wait3A_71 = arith.constant 0 : i32
      %dma_wait3A_72 = tpu.memref_slice %arg2[%select_n3A, %dma_wait3A_70, %dma_wait3A_71] : memref<2x3x4096xf32, #tpu.memory_space<hbm>> -> memref<1x3x4096xf32, #tpu.memory_space<hbm>>
      %dma_wait3A_73 = tpu.memref_squeeze %dma_wait3A_72 : memref<1x3x4096xf32, #tpu.memory_space<hbm>> -> memref<3x4096xf32, #tpu.memory_space<hbm>>
      %dma_wait3A_74 = arith.constant 0 : i32
      %dma_wait3A_75 = arith.constant 0 : i32
      %dma_wait3A_76 = tpu.memref_slice %arg2[%select_n3A, %dma_wait3A_74, %dma_wait3A_75] : memref<2x3x4096xf32, #tpu.memory_space<hbm>> -> memref<1x3x4096xf32, #tpu.memory_space<hbm>>
      %dma_wait3A_77 = tpu.memref_squeeze %dma_wait3A_76 : memref<1x3x4096xf32, #tpu.memory_space<hbm>> -> memref<3x4096xf32, #tpu.memory_space<hbm>>
      tpu.wait_dma2 semaphore(%run_scoped3A : memref<!tpu.dma_semaphore, #tpu.memory_space<semaphore_mem>>) src(%dma_wait3A_77 : memref<3x4096xf32, #tpu.memory_space<hbm>>) dst(%arg5 : memref<3x4096xf32, #tpu.memory_space<vmem>>)
      tpu.yield
    }) : () -> ()
    %broadcast_in_dim3A = arith.constant 0 : i32
    %broadcast_in_dim3A_38 = vector.broadcast %broadcast_in_dim3A : i32 to vector<16xi32>
    %swap3A = arith.constant 0 : index
    %swap3A_39 = tpu.vector_load %arg7[%swap3A] {strides = array<i32>} : memref<304xi32, #tpu.memory_space<vmem>>, vector<16xi32>,
    tpu.vector_store %arg7[%swap3A], %broadcast_in_dim3A_38 {strides = array<i32>} : memref<304xi32, #tpu.memory_space<vmem>>, vector<16xi32>,
    %iota3A = tpu.iota {dimensions = array<i32: 0>} : vector<16xi32>
    %scan3A = arith.constant 0 : i32
    %scan3A_40 = arith.constant 0 : i32
    %scan3A_41 = arith.constant 256 : i32
    %scan3A_42 = arith.addi %scan3A_40, %scan3A_41 : i32
    %scan3A_43 = arith.constant 1 : i32
    scf.for %scan3A_62 = %scan3A_40 to %scan3A_42 step %scan3A_43  : i32 {
      %add3A_63 = arith.addi %mul3A_32, %scan3A_62 : i32
      %broadcast_in_dim3A_64 = vector.broadcast %add3A_63 : i32 to vector<16xi32>
      %broadcast_in_dim3A_65 = arith.constant 0 : i32
      %broadcast_in_dim3A_66 = vector.broadcast %broadcast_in_dim3A_65 : i32 to vector<16xi32>
      %gather3A = tpu.vector_load_idx %arg5[%broadcast_in_dim3A_66, %broadcast_in_dim3A_64] : memref<3x4096xf32, #tpu.memory_space<vmem>>[vector<16xi32>, vector<16xi32>], vector<16xf32>,
      %add3A_67 = arith.constant 1 : i32
      %add3A_68 = vector.broadcast %add3A_67 : i32 to vector<16xi32>
      %add3A_69 = arith.addi %broadcast_in_dim3A_66, %add3A_68 : vector<16xi32>
      %gather3A_70 = tpu.vector_load_idx %arg5[%add3A_69, %broadcast_in_dim3A_64] : memref<3x4096xf32, #tpu.memory_space<vmem>>[vector<16xi32>, vector<16xi32>], vector<16xf32>,
      %add3A_71 = arith.constant 2 : i32
      %add3A_72 = vector.broadcast %add3A_71 : i32 to vector<16xi32>
      %add3A_73 = arith.addi %broadcast_in_dim3A_66, %add3A_72 : vector<16xi32>
      %gather3A_74 = tpu.vector_load_idx %arg5[%add3A_73, %broadcast_in_dim3A_64] : memref<3x4096xf32, #tpu.memory_space<vmem>>[vector<16xi32>, vector<16xi32>], vector<16xf32>,
      %while3A = arith.constant 0 : i32
      %while3A_75 = arith.constant 0 : i32
      %while3A_76:2 = scf.while (%while3A_88 = %while3A, %while3A_89 = %while3A_75) : (i32, i32) -> (i32, i32) {
        %lt3A_90 = arith.constant 16 : i32
        %lt3A_91 = arith.cmpi slt, %while3A_89, %lt3A_90 : i32
        %lt3A_92 = arith.constant 16 : i32
        %lt3A_93 = arith.cmpi slt, %while3A_88, %lt3A_92 : i32
        %and3A_94 = arith.andi %lt3A_91, %lt3A_93 : i1
        scf.condition(%and3A_94) %while3A_88, %while3A_89 : i32, i32
      } do {
      ^bb0(%while3A_88: i32, %while3A_89: i32):
        %mul3A_90 = arith.constant 256 : i32
        %mul3A_91 = arith.muli %while3A_88, %mul3A_90 : i32
        %broadcast_in_dim3A_92 = arith.constant 1 : i32
        %broadcast_in_dim3A_93 = vector.broadcast %broadcast_in_dim3A_92 : i32 to vector<16xi32>
        %sub3A_94 = arith.constant 1 : i32
        %sub3A_95 = arith.subi %while3A_89, %sub3A_94 : i32
        %broadcast_in_dim3A_96 = vector.broadcast %sub3A_95 : i32 to vector<16xi32>
        %parallel_loop3A = arith.constant 0 : i32
        %parallel_loop3A_97 = arith.constant 16 : i32
        %parallel_loop3A_98 = arith.constant 1 : i32
        %parallel_loop3A_99 = scf.for %parallel_loop3A_106 = %parallel_loop3A to %parallel_loop3A_97 step %parallel_loop3A_98 iter_args(%parallel_loop3A_107 = %broadcast_in_dim3A_96) -> (vector<16xi32>)  : i32 {
          %parallel_loop3A_108 = arith.constant 16 : i32
          %parallel_loop3A_109 = arith.muli %parallel_loop3A_106, %parallel_loop3A_108 : i32
          %parallel_loop3A_110 = arith.addi %mul3A_91, %parallel_loop3A_109 : i32
          %parallel_loop3A_111 = arith.constant 0 : i32
          %parallel_loop3A_112 = arith.index_cast %parallel_loop3A_111 : i32 to index
          %parallel_loop3A_113 = arith.index_cast %parallel_loop3A_110 : i32 to index
          %parallel_loop3A_114 = tpu.vector_load %arg5[%parallel_loop3A_112, %parallel_loop3A_113] {strides = array<i32>} : memref<3x4096xf32, #tpu.memory_space<vmem>>, vector<16xf32>,
          %parallel_loop3A_115 = arith.subf %parallel_loop3A_114, %gather3A : vector<16xf32>
          %parallel_loop3A_116 = arith.constant 1 : i32
          %parallel_loop3A_117 = arith.index_cast %parallel_loop3A_116 : i32 to index
          %parallel_loop3A_118 = arith.index_cast %parallel_loop3A_110 : i32 to index
          %parallel_loop3A_119 = tpu.vector_load %arg5[%parallel_loop3A_117, %parallel_loop3A_118] {strides = array<i32>} : memref<3x4096xf32, #tpu.memory_space<vmem>>, vector<16xf32>,
          %parallel_loop3A_120 = arith.subf %parallel_loop3A_119, %gather3A_70 : vector<16xf32>
          %parallel_loop3A_121 = arith.constant 2 : i32
          %parallel_loop3A_122 = arith.index_cast %parallel_loop3A_121 : i32 to index
          %parallel_loop3A_123 = arith.index_cast %parallel_loop3A_110 : i32 to index
          %parallel_loop3A_124 = tpu.vector_load %arg5[%parallel_loop3A_122, %parallel_loop3A_123] {strides = array<i32>} : memref<3x4096xf32, #tpu.memory_space<vmem>>, vector<16xf32>,
          %parallel_loop3A_125 = arith.subf %parallel_loop3A_124, %gather3A_74 : vector<16xf32>
          %parallel_loop3A_126 = arith.mulf %parallel_loop3A_115, %parallel_loop3A_115 : vector<16xf32>
          %parallel_loop3A_127 = arith.mulf %parallel_loop3A_120, %parallel_loop3A_120 : vector<16xf32>
          %parallel_loop3A_128 = arith.addf %parallel_loop3A_126, %parallel_loop3A_127 : vector<16xf32>
          %parallel_loop3A_129 = arith.mulf %parallel_loop3A_125, %parallel_loop3A_125 : vector<16xf32>
          %parallel_loop3A_130 = arith.addf %parallel_loop3A_128, %parallel_loop3A_129 : vector<16xf32>
          %parallel_loop3A_131 = arith.constant 4.000000e-02 : f32
          %parallel_loop3A_132 = vector.broadcast %parallel_loop3A_131 : f32 to vector<16xf32>
          %parallel_loop3A_133 = arith.cmpf olt, %parallel_loop3A_130, %parallel_loop3A_132 : vector<16xf32>
          %parallel_loop3A_134 = tpu.scan <sum>, %broadcast_in_dim3A_93 masked %parallel_loop3A_133 : vector<16xi32>, vector<16xi1> -> vector<16xi32>
          %parallel_loop3A_135 = arith.addi %parallel_loop3A_107, %parallel_loop3A_134 : vector<16xi32>
          %parallel_loop3A_136 = vector.broadcast %parallel_loop3A_110 : i32 to vector<16xi32>
          %parallel_loop3A_137 = arith.addi %iota3A, %parallel_loop3A_136 : vector<16xi32>
          tpu.vector_store_idx %arg7[%parallel_loop3A_135], %parallel_loop3A_137 masked %parallel_loop3A_133 : memref<304xi32, #tpu.memory_space<vmem>>[vector<16xi32>], vector<16xi32>, vector<16xi1>
          %parallel_loop3A_138 = tpu.all_reduce %parallel_loop3A_133 {dim = 0 : i64, kind = #tpu.reduction_kind<sum>} : vector<16xi1> -> vector<16xi32>
          %parallel_loop3A_139 = arith.addi %parallel_loop3A_107, %parallel_loop3A_138 : vector<16xi32>
          scf.yield %parallel_loop3A_139 : vector<16xi32>
        } {sc.loop_unroll_factor = 16 : i64, sc.parallel_access}
        %add3A_100 = arith.constant 1 : i32
        %add3A_101 = arith.addi %while3A_88, %add3A_100 : i32
        %slice3A_102 = vector.extract_strided_slice %parallel_loop3A_99 {offsets = [0], sizes = [1], strides = [1]} : vector<16xi32> to vector<1xi32>
        %squeeze3A_103 = vector.extract %slice3A_102[0] : i32 from vector<1xi32>
        %add3A_104 = arith.constant 1 : i32
        %add3A_105 = arith.addi %squeeze3A_103, %add3A_104 : i32
        scf.yield %add3A_101, %add3A_105 : i32, i32
      }
      %max3A = arith.constant 1 : i32
      %max3A_77 = arith.maxsi %while3A_76#1, %max3A : i32
      %min3A = arith.constant 16 : i32
      %min3A_78 = arith.minsi %max3A_77, %min3A : i32
      %get3A = arith.constant 0 : index
      %get3A_79 = tpu.vector_load %arg7[%get3A] {strides = array<i32>} : memref<304xi32, #tpu.memory_space<vmem>>, vector<16xi32>,
      %lt3A_80 = vector.broadcast %min3A_78 : i32 to vector<16xi32>
      %lt3A_81 = arith.cmpi slt, %iota3A, %lt3A_80 : vector<16xi32>
      %slice3A = vector.extract_strided_slice %get3A_79 {offsets = [0], sizes = [1], strides = [1]} : vector<16xi32> to vector<1xi32>
      %squeeze3A = vector.extract %slice3A[0] : i32 from vector<1xi32>
      %broadcast_in_dim3A_82 = vector.broadcast %squeeze3A : i32 to vector<16xi32>
      %select_n3A_83 = arith.select %lt3A_81, %get3A_79, %broadcast_in_dim3A_82 : vector<16xi1>, vector<16xi32>
      %mul3A_84 = arith.constant 16 : i32
      %mul3A_85 = arith.muli %scan3A_62, %mul3A_84 : i32
      %swap3A_86 = arith.index_cast %mul3A_85 : i32 to index
      %swap3A_87 = tpu.vector_load %arg8[%swap3A_86] {strides = array<i32>} : memref<4096xi32, #tpu.memory_space<vmem>>, vector<16xi32>,
      tpu.vector_store %arg8[%swap3A_86], %select_n3A_83 {strides = array<i32>} : memref<4096xi32, #tpu.memory_space<vmem>>, vector<16xi32>,
    }
    %scan3A_44 = arith.constant 256 : i32
    %dma_wait3A = arith.constant 0 : i32
    %dma_wait3A_45 = tpu.memref_slice %arg3[%select_n3A, %dma_wait3A] : memref<2x81920xf32, #tpu.memory_space<hbm>> -> memref<1x81920xf32, #tpu.memory_space<hbm>>
    %dma_wait3A_46 = tpu.memref_squeeze %dma_wait3A_45 : memref<1x81920xf32, #tpu.memory_space<hbm>> -> memref<81920xf32, #tpu.memory_space<hbm>>
    %dma_wait3A_47 = arith.constant 0 : i32
    %dma_wait3A_48 = tpu.memref_slice %arg3[%select_n3A, %dma_wait3A_47] : memref<2x81920xf32, #tpu.memory_space<hbm>> -> memref<1x81920xf32, #tpu.memory_space<hbm>>
    %dma_wait3A_49 = tpu.memref_squeeze %dma_wait3A_48 : memref<1x81920xf32, #tpu.memory_space<hbm>> -> memref<81920xf32, #tpu.memory_space<hbm>>
    tpu.wait_dma2 semaphore(%arg10 : memref<!tpu.dma_semaphore, #tpu.memory_space<semaphore_mem>>) src(%dma_wait3A_49 : memref<81920xf32, #tpu.memory_space<hbm>>) dst(%arg6 : memref<81920xf32, #tpu.memory_space<vmem>>)
    %broadcast_in_dim3A_50 = arith.constant 0.000000e+00 : f32
    %broadcast_in_dim3A_51 = vector.broadcast %broadcast_in_dim3A_50 : f32 to vector<16xf32>
    %scan3A_52 = arith.constant 0 : i32
    %scan3A_53 = arith.constant 256 : i32
    %scan3A_54 = arith.addi %scan3A_52, %scan3A_53 : i32
    %scan3A_55 = arith.constant 1 : i32
    %scan3A_56 = scf.for %scan3A_62 = %scan3A_52 to %scan3A_54 step %scan3A_55 iter_args(%scan3A_63 = %broadcast_in_dim3A_51) -> (vector<16xf32>)  : i32 {
      %add3A_64 = arith.addi %mul3A_32, %scan3A_62 : i32
      %mul3A_65 = arith.constant 16 : i32
      %mul3A_66 = arith.muli %scan3A_62, %mul3A_65 : i32
      %get3A = arith.index_cast %mul3A_66 : i32 to index
      %get3A_67 = tpu.vector_load %arg8[%get3A] {strides = array<i32>} : memref<4096xi32, #tpu.memory_space<vmem>>, vector<16xi32>,
      %broadcast_in_dim3A_68 = vector.broadcast %add3A_64 : i32 to vector<16xi32>
      %add3A_69 = arith.constant 40960 : i32
      %add3A_70 = vector.broadcast %add3A_69 : i32 to vector<16xi32>
      %add3A_71 = arith.addi %get3A_67, %add3A_70 : vector<16xi32>
      %add3A_72 = arith.constant 40960 : i32
      %add3A_73 = vector.broadcast %add3A_72 : i32 to vector<16xi32>
      %add3A_74 = arith.addi %broadcast_in_dim3A_68, %add3A_73 : vector<16xi32>
      %broadcast_in_dim3A_75 = arith.constant 0.000000e+00 : f32
      %broadcast_in_dim3A_76 = vector.broadcast %broadcast_in_dim3A_75 : f32 to vector<16xf32>
      %broadcast_in_dim3A_77 = arith.constant 0.000000e+00 : f32
      %broadcast_in_dim3A_78 = vector.broadcast %broadcast_in_dim3A_77 : f32 to vector<16xf32>
      %gather3A = tpu.vector_load_idx %arg6[%get3A_67] : memref<81920xf32, #tpu.memory_space<vmem>>[vector<16xi32>], vector<16xf32>,
      %gather3A_79 = tpu.vector_load_idx %arg6[%broadcast_in_dim3A_68] : memref<81920xf32, #tpu.memory_space<vmem>>[vector<16xi32>], vector<16xf32>,
      %gather3A_80 = tpu.vector_load_idx %arg6[%add3A_71] : memref<81920xf32, #tpu.memory_space<vmem>>[vector<16xi32>], vector<16xf32>,
      %gather3A_81 = tpu.vector_load_idx %arg6[%add3A_74] : memref<81920xf32, #tpu.memory_space<vmem>>[vector<16xi32>], vector<16xf32>,
      %sub3A_82 = arith.subf %gather3A, %gather3A_79 : vector<16xf32>
      %abs3A = math.absf %sub3A_82 : vector<16xf32>
      %add3A_83 = arith.addf %broadcast_in_dim3A_76, %abs3A : vector<16xf32>
      %sub3A_84 = arith.subf %gather3A_80, %gather3A_81 : vector<16xf32>
      %abs3A_85 = math.absf %sub3A_84 : vector<16xf32>
      %add3A_86 = arith.addf %broadcast_in_dim3A_78, %abs3A_85 : vector<16xf32>
      %add3A_87 = arith.constant 4096 : i32
      %add3A_88 = vector.broadcast %add3A_87 : i32 to vector<16xi32>
      %add3A_89 = arith.addi %get3A_67, %add3A_88 : vector<16xi32>
      %add3A_90 = arith.constant 4096 : i32
      %add3A_91 = vector.broadcast %add3A_90 : i32 to vector<16xi32>
      %add3A_92 = arith.addi %broadcast_in_dim3A_68, %add3A_91 : vector<16xi32>
      %add3A_93 = arith.constant 4096 : i32
      %add3A_94 = vector.broadcast %add3A_93 : i32 to vector<16xi32>
      %add3A_95 = arith.addi %add3A_71, %add3A_94 : vector<16xi32>
      %add3A_96 = arith.constant 4096 : i32
      %add3A_97 = vector.broadcast %add3A_96 : i32 to vector<16xi32>
      %add3A_98 = arith.addi %add3A_74, %add3A_97 : vector<16xi32>
      %gather3A_99 = tpu.vector_load_idx %arg6[%add3A_89] : memref<81920xf32, #tpu.memory_space<vmem>>[vector<16xi32>], vector<16xf32>,
      %gather3A_100 = tpu.vector_load_idx %arg6[%add3A_92] : memref<81920xf32, #tpu.memory_space<vmem>>[vector<16xi32>], vector<16xf32>,
      %gather3A_101 = tpu.vector_load_idx %arg6[%add3A_95] : memref<81920xf32, #tpu.memory_space<vmem>>[vector<16xi32>], vector<16xf32>,
      %gather3A_102 = tpu.vector_load_idx %arg6[%add3A_98] : memref<81920xf32, #tpu.memory_space<vmem>>[vector<16xi32>], vector<16xf32>,
      %sub3A_103 = arith.subf %gather3A_99, %gather3A_100 : vector<16xf32>
      %abs3A_104 = math.absf %sub3A_103 : vector<16xf32>
      %add3A_105 = arith.addf %add3A_83, %abs3A_104 : vector<16xf32>
      %sub3A_106 = arith.subf %gather3A_101, %gather3A_102 : vector<16xf32>
      %abs3A_107 = math.absf %sub3A_106 : vector<16xf32>
      %add3A_108 = arith.addf %add3A_86, %abs3A_107 : vector<16xf32>
      %add3A_109 = arith.constant 4096 : i32
      %add3A_110 = vector.broadcast %add3A_109 : i32 to vector<16xi32>
      %add3A_111 = arith.addi %add3A_89, %add3A_110 : vector<16xi32>
      %add3A_112 = arith.constant 4096 : i32
      %add3A_113 = vector.broadcast %add3A_112 : i32 to vector<16xi32>
      %add3A_114 = arith.addi %add3A_92, %add3A_113 : vector<16xi32>
      %add3A_115 = arith.constant 4096 : i32
      %add3A_116 = vector.broadcast %add3A_115 : i32 to vector<16xi32>
      %add3A_117 = arith.addi %add3A_95, %add3A_116 : vector<16xi32>
      %add3A_118 = arith.constant 4096 : i32
      %add3A_119 = vector.broadcast %add3A_118 : i32 to vector<16xi32>
      %add3A_120 = arith.addi %add3A_98, %add3A_119 : vector<16xi32>
      %gather3A_121 = tpu.vector_load_idx %arg6[%add3A_111] : memref<81920xf32, #tpu.memory_space<vmem>>[vector<16xi32>], vector<16xf32>,
      %gather3A_122 = tpu.vector_load_idx %arg6[%add3A_114] : memref<81920xf32, #tpu.memory_space<vmem>>[vector<16xi32>], vector<16xf32>,
      %gather3A_123 = tpu.vector_load_idx %arg6[%add3A_117] : memref<81920xf32, #tpu.memory_space<vmem>>[vector<16xi32>], vector<16xf32>,
      %gather3A_124 = tpu.vector_load_idx %arg6[%add3A_120] : memref<81920xf32, #tpu.memory_space<vmem>>[vector<16xi32>], vector<16xf32>,
      %sub3A_125 = arith.subf %gather3A_121, %gather3A_122 : vector<16xf32>
      %abs3A_126 = math.absf %sub3A_125 : vector<16xf32>
      %add3A_127 = arith.addf %add3A_105, %abs3A_126 : vector<16xf32>
      %sub3A_128 = arith.subf %gather3A_123, %gather3A_124 : vector<16xf32>
      %abs3A_129 = math.absf %sub3A_128 : vector<16xf32>
      %add3A_130 = arith.addf %add3A_108, %abs3A_129 : vector<16xf32>
      %add3A_131 = arith.constant 4096 : i32
      %add3A_132 = vector.broadcast %add3A_131 : i32 to vector<16xi32>
      %add3A_133 = arith.addi %add3A_111, %add3A_132 : vector<16xi32>
      %add3A_134 = arith.constant 4096 : i32
      %add3A_135 = vector.broadcast %add3A_134 : i32 to vector<16xi32>
      %add3A_136 = arith.addi %add3A_114, %add3A_135 : vector<16xi32>
      %add3A_137 = arith.constant 4096 : i32
      %add3A_138 = vector.broadcast %add3A_137 : i32 to vector<16xi32>
      %add3A_139 = arith.addi %add3A_117, %add3A_138 : vector<16xi32>
      %add3A_140 = arith.constant 4096 : i32
      %add3A_141 = vector.broadcast %add3A_140 : i32 to vector<16xi32>
      %add3A_142 = arith.addi %add3A_120, %add3A_141 : vector<16xi32>
      %gather3A_143 = tpu.vector_load_idx %arg6[%add3A_133] : memref<81920xf32, #tpu.memory_space<vmem>>[vector<16xi32>], vector<16xf32>,
      %gather3A_144 = tpu.vector_load_idx %arg6[%add3A_136] : memref<81920xf32, #tpu.memory_space<vmem>>[vector<16xi32>], vector<16xf32>,
      %gather3A_145 = tpu.vector_load_idx %arg6[%add3A_139] : memref<81920xf32, #tpu.memory_space<vmem>>[vector<16xi32>], vector<16xf32>,
      %gather3A_146 = tpu.vector_load_idx %arg6[%add3A_142] : memref<81920xf32, #tpu.memory_space<vmem>>[vector<16xi32>], vector<16xf32>,
      %sub3A_147 = arith.subf %gather3A_143, %gather3A_144 : vector<16xf32>
      %abs3A_148 = math.absf %sub3A_147 : vector<16xf32>
      %add3A_149 = arith.addf %add3A_127, %abs3A_148 : vector<16xf32>
      %sub3A_150 = arith.subf %gather3A_145, %gather3A_146 : vector<16xf32>
      %abs3A_151 = math.absf %sub3A_150 : vector<16xf32>
      %add3A_152 = arith.addf %add3A_130, %abs3A_151 : vector<16xf32>
      %add3A_153 = arith.constant 4096 : i32
      %add3A_154 = vector.broadcast %add3A_153 : i32 to vector<16xi32>
      %add3A_155 = arith.addi %add3A_133, %add3A_154 : vector<16xi32>
      %add3A_156 = arith.constant 4096 : i32
      %add3A_157 = vector.broadcast %add3A_156 : i32 to vector<16xi32>
      %add3A_158 = arith.addi %add3A_136, %add3A_157 : vector<16xi32>
      %add3A_159 = arith.constant 4096 : i32
      %add3A_160 = vector.broadcast %add3A_159 : i32 to vector<16xi32>
      %add3A_161 = arith.addi %add3A_139, %add3A_160 : vector<16xi32>
      %add3A_162 = arith.constant 4096 : i32
      %add3A_163 = vector.broadcast %add3A_162 : i32 to vector<16xi32>
      %add3A_164 = arith.addi %add3A_142, %add3A_163 : vector<16xi32>
      %gather3A_165 = tpu.vector_load_idx %arg6[%add3A_155] : memref<81920xf32, #tpu.memory_space<vmem>>[vector<16xi32>], vector<16xf32>,
      %gather3A_166 = tpu.vector_load_idx %arg6[%add3A_158] : memref<81920xf32, #tpu.memory_space<vmem>>[vector<16xi32>], vector<16xf32>,
      %gather3A_167 = tpu.vector_load_idx %arg6[%add3A_161] : memref<81920xf32, #tpu.memory_space<vmem>>[vector<16xi32>], vector<16xf32>,
      %gather3A_168 = tpu.vector_load_idx %arg6[%add3A_164] : memref<81920xf32, #tpu.memory_space<vmem>>[vector<16xi32>], vector<16xf32>,
      %sub3A_169 = arith.subf %gather3A_165, %gather3A_166 : vector<16xf32>
      %abs3A_170 = math.absf %sub3A_169 : vector<16xf32>
      %add3A_171 = arith.addf %add3A_149, %abs3A_170 : vector<16xf32>
      %sub3A_172 = arith.subf %gather3A_167, %gather3A_168 : vector<16xf32>
      %abs3A_173 = math.absf %sub3A_172 : vector<16xf32>
      %add3A_174 = arith.addf %add3A_152, %abs3A_173 : vector<16xf32>
      %add3A_175 = arith.constant 4096 : i32
      %add3A_176 = vector.broadcast %add3A_175 : i32 to vector<16xi32>
      %add3A_177 = arith.addi %add3A_155, %add3A_176 : vector<16xi32>
      %add3A_178 = arith.constant 4096 : i32
      %add3A_179 = vector.broadcast %add3A_178 : i32 to vector<16xi32>
      %add3A_180 = arith.addi %add3A_158, %add3A_179 : vector<16xi32>
      %add3A_181 = arith.constant 4096 : i32
      %add3A_182 = vector.broadcast %add3A_181 : i32 to vector<16xi32>
      %add3A_183 = arith.addi %add3A_161, %add3A_182 : vector<16xi32>
      %add3A_184 = arith.constant 4096 : i32
      %add3A_185 = vector.broadcast %add3A_184 : i32 to vector<16xi32>
      %add3A_186 = arith.addi %add3A_164, %add3A_185 : vector<16xi32>
      %gather3A_187 = tpu.vector_load_idx %arg6[%add3A_177] : memref<81920xf32, #tpu.memory_space<vmem>>[vector<16xi32>], vector<16xf32>,
      %gather3A_188 = tpu.vector_load_idx %arg6[%add3A_180] : memref<81920xf32, #tpu.memory_space<vmem>>[vector<16xi32>], vector<16xf32>,
      %gather3A_189 = tpu.vector_load_idx %arg6[%add3A_183] : memref<81920xf32, #tpu.memory_space<vmem>>[vector<16xi32>], vector<16xf32>,
      %gather3A_190 = tpu.vector_load_idx %arg6[%add3A_186] : memref<81920xf32, #tpu.memory_space<vmem>>[vector<16xi32>], vector<16xf32>,
      %sub3A_191 = arith.subf %gather3A_187, %gather3A_188 : vector<16xf32>
      %abs3A_192 = math.absf %sub3A_191 : vector<16xf32>
      %add3A_193 = arith.addf %add3A_171, %abs3A_192 : vector<16xf32>
      %sub3A_194 = arith.subf %gather3A_189, %gather3A_190 : vector<16xf32>
      %abs3A_195 = math.absf %sub3A_194 : vector<16xf32>
      %add3A_196 = arith.addf %add3A_174, %abs3A_195 : vector<16xf32>
      %add3A_197 = arith.constant 4096 : i32
      %add3A_198 = vector.broadcast %add3A_197 : i32 to vector<16xi32>
      %add3A_199 = arith.addi %add3A_177, %add3A_198 : vector<16xi32>
      %add3A_200 = arith.constant 4096 : i32
      %add3A_201 = vector.broadcast %add3A_200 : i32 to vector<16xi32>
      %add3A_202 = arith.addi %add3A_180, %add3A_201 : vector<16xi32>
      %add3A_203 = arith.constant 4096 : i32
      %add3A_204 = vector.broadcast %add3A_203 : i32 to vector<16xi32>
      %add3A_205 = arith.addi %add3A_183, %add3A_204 : vector<16xi32>
      %add3A_206 = arith.constant 4096 : i32
      %add3A_207 = vector.broadcast %add3A_206 : i32 to vector<16xi32>
      %add3A_208 = arith.addi %add3A_186, %add3A_207 : vector<16xi32>
      %gather3A_209 = tpu.vector_load_idx %arg6[%add3A_199] : memref<81920xf32, #tpu.memory_space<vmem>>[vector<16xi32>], vector<16xf32>,
      %gather3A_210 = tpu.vector_load_idx %arg6[%add3A_202] : memref<81920xf32, #tpu.memory_space<vmem>>[vector<16xi32>], vector<16xf32>,
      %gather3A_211 = tpu.vector_load_idx %arg6[%add3A_205] : memref<81920xf32, #tpu.memory_space<vmem>>[vector<16xi32>], vector<16xf32>,
      %gather3A_212 = tpu.vector_load_idx %arg6[%add3A_208] : memref<81920xf32, #tpu.memory_space<vmem>>[vector<16xi32>], vector<16xf32>,
      %sub3A_213 = arith.subf %gather3A_209, %gather3A_210 : vector<16xf32>
      %abs3A_214 = math.absf %sub3A_213 : vector<16xf32>
      %add3A_215 = arith.addf %add3A_193, %abs3A_214 : vector<16xf32>
      %sub3A_216 = arith.subf %gather3A_211, %gather3A_212 : vector<16xf32>
      %abs3A_217 = math.absf %sub3A_216 : vector<16xf32>
      %add3A_218 = arith.addf %add3A_196, %abs3A_217 : vector<16xf32>
      %add3A_219 = arith.constant 4096 : i32
      %add3A_220 = vector.broadcast %add3A_219 : i32 to vector<16xi32>
      %add3A_221 = arith.addi %add3A_199, %add3A_220 : vector<16xi32>
      %add3A_222 = arith.constant 4096 : i32
      %add3A_223 = vector.broadcast %add3A_222 : i32 to vector<16xi32>
      %add3A_224 = arith.addi %add3A_202, %add3A_223 : vector<16xi32>
      %add3A_225 = arith.constant 4096 : i32
      %add3A_226 = vector.broadcast %add3A_225 : i32 to vector<16xi32>
      %add3A_227 = arith.addi %add3A_205, %add3A_226 : vector<16xi32>
      %add3A_228 = arith.constant 4096 : i32
      %add3A_229 = vector.broadcast %add3A_228 : i32 to vector<16xi32>
      %add3A_230 = arith.addi %add3A_208, %add3A_229 : vector<16xi32>
      %gather3A_231 = tpu.vector_load_idx %arg6[%add3A_221] : memref<81920xf32, #tpu.memory_space<vmem>>[vector<16xi32>], vector<16xf32>,
      %gather3A_232 = tpu.vector_load_idx %arg6[%add3A_224] : memref<81920xf32, #tpu.memory_space<vmem>>[vector<16xi32>], vector<16xf32>,
      %gather3A_233 = tpu.vector_load_idx %arg6[%add3A_227] : memref<81920xf32, #tpu.memory_space<vmem>>[vector<16xi32>], vector<16xf32>,
      %gather3A_234 = tpu.vector_load_idx %arg6[%add3A_230] : memref<81920xf32, #tpu.memory_space<vmem>>[vector<16xi32>], vector<16xf32>,
      %sub3A_235 = arith.subf %gather3A_231, %gather3A_232 : vector<16xf32>
      %abs3A_236 = math.absf %sub3A_235 : vector<16xf32>
      %add3A_237 = arith.addf %add3A_215, %abs3A_236 : vector<16xf32>
      %sub3A_238 = arith.subf %gather3A_233, %gather3A_234 : vector<16xf32>
      %abs3A_239 = math.absf %sub3A_238 : vector<16xf32>
      %add3A_240 = arith.addf %add3A_218, %abs3A_239 : vector<16xf32>
      %add3A_241 = arith.constant 4096 : i32
      %add3A_242 = vector.broadcast %add3A_241 : i32 to vector<16xi32>
      %add3A_243 = arith.addi %add3A_221, %add3A_242 : vector<16xi32>
      %add3A_244 = arith.constant 4096 : i32
      %add3A_245 = vector.broadcast %add3A_244 : i32 to vector<16xi32>
      %add3A_246 = arith.addi %add3A_224, %add3A_245 : vector<16xi32>
      %add3A_247 = arith.constant 4096 : i32
      %add3A_248 = vector.broadcast %add3A_247 : i32 to vector<16xi32>
      %add3A_249 = arith.addi %add3A_227, %add3A_248 : vector<16xi32>
      %add3A_250 = arith.constant 4096 : i32
      %add3A_251 = vector.broadcast %add3A_250 : i32 to vector<16xi32>
      %add3A_252 = arith.addi %add3A_230, %add3A_251 : vector<16xi32>
      %gather3A_253 = tpu.vector_load_idx %arg6[%add3A_243] : memref<81920xf32, #tpu.memory_space<vmem>>[vector<16xi32>], vector<16xf32>,
      %gather3A_254 = tpu.vector_load_idx %arg6[%add3A_246] : memref<81920xf32, #tpu.memory_space<vmem>>[vector<16xi32>], vector<16xf32>,
      %gather3A_255 = tpu.vector_load_idx %arg6[%add3A_249] : memref<81920xf32, #tpu.memory_space<vmem>>[vector<16xi32>], vector<16xf32>,
      %gather3A_256 = tpu.vector_load_idx %arg6[%add3A_252] : memref<81920xf32, #tpu.memory_space<vmem>>[vector<16xi32>], vector<16xf32>,
      %sub3A_257 = arith.subf %gather3A_253, %gather3A_254 : vector<16xf32>
      %abs3A_258 = math.absf %sub3A_257 : vector<16xf32>
      %add3A_259 = arith.addf %add3A_237, %abs3A_258 : vector<16xf32>
      %sub3A_260 = arith.subf %gather3A_255, %gather3A_256 : vector<16xf32>
      %abs3A_261 = math.absf %sub3A_260 : vector<16xf32>
      %add3A_262 = arith.addf %add3A_240, %abs3A_261 : vector<16xf32>
      %add3A_263 = arith.constant 4096 : i32
      %add3A_264 = vector.broadcast %add3A_263 : i32 to vector<16xi32>
      %add3A_265 = arith.addi %add3A_243, %add3A_264 : vector<16xi32>
      %add3A_266 = arith.constant 4096 : i32
      %add3A_267 = vector.broadcast %add3A_266 : i32 to vector<16xi32>
      %add3A_268 = arith.addi %add3A_246, %add3A_267 : vector<16xi32>
      %add3A_269 = arith.constant 4096 : i32
      %add3A_270 = vector.broadcast %add3A_269 : i32 to vector<16xi32>
      %add3A_271 = arith.addi %add3A_249, %add3A_270 : vector<16xi32>
      %add3A_272 = arith.constant 4096 : i32
      %add3A_273 = vector.broadcast %add3A_272 : i32 to vector<16xi32>
      %add3A_274 = arith.addi %add3A_252, %add3A_273 : vector<16xi32>
      %gather3A_275 = tpu.vector_load_idx %arg6[%add3A_265] : memref<81920xf32, #tpu.memory_space<vmem>>[vector<16xi32>], vector<16xf32>,
      %gather3A_276 = tpu.vector_load_idx %arg6[%add3A_268] : memref<81920xf32, #tpu.memory_space<vmem>>[vector<16xi32>], vector<16xf32>,
      %gather3A_277 = tpu.vector_load_idx %arg6[%add3A_271] : memref<81920xf32, #tpu.memory_space<vmem>>[vector<16xi32>], vector<16xf32>,
      %gather3A_278 = tpu.vector_load_idx %arg6[%add3A_274] : memref<81920xf32, #tpu.memory_space<vmem>>[vector<16xi32>], vector<16xf32>,
      %sub3A_279 = arith.subf %gather3A_275, %gather3A_276 : vector<16xf32>
      %abs3A_280 = math.absf %sub3A_279 : vector<16xf32>
      %add3A_281 = arith.addf %add3A_259, %abs3A_280 : vector<16xf32>
      %sub3A_282 = arith.subf %gather3A_277, %gather3A_278 : vector<16xf32>
      %abs3A_283 = math.absf %sub3A_282 : vector<16xf32>
      %add3A_284 = arith.addf %add3A_262, %abs3A_283 : vector<16xf32>
      %add3A_285 = arith.constant 4096 : i32
      %add3A_286 = vector.broadcast %add3A_285 : i32 to vector<16xi32>
      %add3A_287 = arith.addi %add3A_271, %add3A_286 : vector<16xi32>
      %add3A_288 = arith.constant 4096 : i32
      %add3A_289 = vector.broadcast %add3A_288 : i32 to vector<16xi32>
      %add3A_290 = arith.addi %add3A_274, %add3A_289 : vector<16xi32>
      %add3A_291 = arith.addf %scan3A_63, %add3A_281 : vector<16xf32>
      %add3A_292 = arith.addf %add3A_291, %add3A_284 : vector<16xf32>
      scf.yield %add3A_292 : vector<16xf32>
    }
    %scan3A_57 = arith.constant 256 : i32
    %swap3A_58 = arith.constant 0 : index
    %swap3A_59 = tpu.vector_load %arg9[%swap3A_58] {strides = array<i32>} : memref<16xf32, #tpu.memory_space<vmem>>, vector<16xf32>,
    tpu.vector_store %arg9[%swap3A_58], %scan3A_56 {strides = array<i32>} : memref<16xf32, #tpu.memory_space<vmem>>, vector<16xf32>,
    %mul3A_60 = arith.constant 16 : i32
    %mul3A_61 = arith.muli %add3A, %mul3A_60 : i32
    "tpu.region"() ({
      %run_scoped3A = tpu.sem_alloc : memref<!tpu.dma_semaphore, #tpu.memory_space<semaphore_mem>>
      %dma_start3A_62 = tpu.memref_slice %arg4[%mul3A_61] : memref<512xf32, #tpu.memory_space<hbm>> -> memref<16xf32, #tpu.memory_space<hbm>>
      %dma_start3A_63 = tpu.memref_slice %arg4[%mul3A_61] : memref<512xf32, #tpu.memory_space<hbm>> -> memref<16xf32, #tpu.memory_space<hbm>>
      tpu.enqueue_dma source(%arg9 : memref<16xf32, #tpu.memory_space<vmem>>) target(%dma_start3A_63 : memref<16xf32, #tpu.memory_space<hbm>>) target_semaphore(%run_scoped3A : memref<!tpu.dma_semaphore, #tpu.memory_space<semaphore_mem>>)
      %dma_wait3A_64 = tpu.memref_slice %arg4[%mul3A_61] : memref<512xf32, #tpu.memory_space<hbm>> -> memref<16xf32, #tpu.memory_space<hbm>>
      %dma_wait3A_65 = tpu.memref_slice %arg4[%mul3A_61] : memref<512xf32, #tpu.memory_space<hbm>> -> memref<16xf32, #tpu.memory_space<hbm>>
      tpu.wait_dma2 semaphore(%run_scoped3A : memref<!tpu.dma_semaphore, #tpu.memory_space<semaphore_mem>>) src(%arg9 : memref<16xf32, #tpu.memory_space<vmem>>) dst(%dma_wait3A_65 : memref<16xf32, #tpu.memory_space<hbm>>)
      tpu.yield
    }) : () -> ()
    return
  }
}

</mosaic_0001>

<sc_bundles>
// kernel: kernel.3.cloned.1.call-start
scs
__scs_entry_jumppad:
0x0: {  	(pc) =	sbr.rel $0x88, $3  }
0x1: {  	(tag) =	ssettag $0x0;
	lr =	simm.s32 $0x1  }
0x2: {  	[smem:$0x3F9F] =	sst lr;
	_ =	strace $0xD0000000  }
0x3: {  	_ = 	snop  }
0x4: {  	_ = 	snop  }
0x5: {  	_ = 	snop  }
0x6: {  	_ = 	snop  }
0x7: {  	_ = 	snop  }
__scs_overlays_trampoline_lowered:
0x8: {  	[smem:$0x3FAE] =	sst s0  }
0x9: {  	[smem:$0x3FAF] =	sst s1  }
0xa: {  	[smem:$0x3FB0] =	sst s2  }
0xb: {  	[smem:$0x3FB1] =	sst s3  }
0xc: {  	[smem:$0x3FB2] =	sst s4  }
0xd: {  	[smem:$0x3FB3] =	sst s5  }
0xe: {  	[smem:$0x3FB4] =	sst s6  }
0xf: {  	[smem:$0x3FB5] =	sst s7  }
0x10: {  	[smem:$0x3FB6] =	sst s8  }
0x11: {  	[smem:$0x3FB7] =	sst s9;
	s0 =	simm.s32 @!p0 $0x0  }
0x12: {  	s1 =	sld [smem:$0x3F9D];
	s0 =	simm.s32 @p0 $0x1  }
0x13: {  	[smem:$0x3FB8] =	sst s0;
	s0 =	simm.s32 @!p1 $0x0  }
0x14: {  	s2 =	sld [smem:$0x3F9C];
	s0 =	simm.s32 @p1 $0x1  }
0x15: {  	[smem:$0x3FB9] =	sst s0;
	s0 =	simm.s32 @!p2 $0x0  }
0x16: {  	s3 =	sld [smem:$0x3FDB];
	s0 =	simm.s32 @p2 $0x1  }
0x17: {  	s4 =	simm.s32 $0x1BF5;
	[smem:$0x3FBB] =	sst s0  }
0x18: {  	s0 =	sld [smem:$0x3F9E];
	_ =	swait.ge [sflag:s4], $0x0  }
0x19: {  	s7 =	sld [smem:$0x3F9F]  }
0x1a: {  	s8 =	sadd.s32 $0xFFFFE003, lr  }
0x1b: {  	s9 =	sadd.s32 $0xFFFFFEF7, lr;
	s5 =	simm.s32 $0xFFFFFFFF;
	p2 =	slt.u32 s8, $0xFFFFF086  }
0x1c: {  	p1 =	slt.u32 s9, $0xF7A;
	s5 =	simm.s32 @!p2 $0x0  }
0x1d: {  	s5 =	simm.s32 @p1 $0x1;
	p0 =	seq.s32 s7, s2  }
0x1e: {  	s7 =	smul.u32 @!p0 $0xF7A, s2;
	p2 =	seq.s32 @!p0 s5, $0x0  }
0x1f: {  	s9 =	smul.u32 $0xF7A, s1;
	s8 =	simm.s32 @!p0 $0x1BF5;
	p2 =	por !p2, p0  }
0x20: {  	[sflag:s8] =	ssyncset.s32 @!p0 $0xFFFFF086;
	s6 =	sadd.s32 @!p0 s3, s7;
	s7 =	simm.s32 @!p0 $0x108  }
0x21: {  	s3 =	sadd.s32 s3, s9;
	s6 =	sadd.s32 @!p0 $0x88, s6;
	s7 =	simm.s32 @p2 $0x1082  }
0x22: {  	[simem:s7], [sflag:s8] =	dma.local @!p0 [hbm:s6], $0xF7A  }
0x23: {  	s9 =	sor.u32 $0xD0000000, s2;
	s6 =	simm.s32 $0x108;
	_ =	swait.ge @!p0 [sflag:s8], $0x0  }
0x24: {  	s3 =	sadd.s32 $0x88, s3;
	s6 =	simm.s32 @!p1 $0x1082;
	[sflag:s4] =	ssyncset.s32 $0xFFFFF086  }
0x25: {  	[simem:s6], [sflag:s4] =	dma.local [hbm:s3], $0xF7A  }
0x26: {  	[smem:$0x3F9F] =	sst s1;
	(tag) =	ssettag s2;
	_ =	strace s9  }
0x27: {  	s1 =	sld [smem:$0x3FAF]  }
0x28: {  	s2 =	sld [smem:$0x3FB0]  }
0x29: {  	s4 =	sld [smem:$0x3FB2]  }
0x2a: {  	p0 =	seq.s32 s5, $0x0;
	s5 =	sld [smem:$0x3FB3]  }
0x2b: {  	s6 =	sld [smem:$0x3FB4]  }
0x2c: {  	s7 =	sld [smem:$0x3FB5]  }
0x2d: {  	s3 =	simm.s32 $0x108;
	s8 =	sld [smem:$0x3FB6]  }
0x2e: {  	s3 =	simm.s32 @!p0 $0x1082;
	s9 =	sld [smem:$0x3FB7]  }
0x2f: {  	lr =	sadd.s32 s0, s3;
	s0 =	sld [smem:$0x3FAE]  }
0x30: {  	s3 =	sld [smem:$0x3FB1]  }
0x31: {  	[smem:$0x3FBA] =	sst s10  }
0x32: {  	s10 =	sld [smem:$0x3FB8];
	_ =	sdelay $0x3  }
0x33: {  	p0 =	seq.s32 s10, $0x1;
	s10 =	sld [smem:$0x3FBA];
	_ =	sdelay $0x3  }
0x34: {  	[smem:$0x3FBA] =	sst s10  }
0x35: {  	s10 =	sld [smem:$0x3FB9];
	_ =	sdelay $0x3  }
0x36: {  	p1 =	seq.s32 s10, $0x1;
	s10 =	sld [smem:$0x3FBA];
	_ =	sdelay $0x3  }
0x37: {  	[smem:$0x3FBA] =	sst s10  }
0x38: {  	s10 =	sld [smem:$0x3FBB]  }
0x39: {  	_ = 	snop;
	(pc) =	sbr.ind lr, $3  }
0x3a: {  	_ = 	snop  }
0x3b: {  	_ = 	snop  }
0x3c: {  	p2 =	seq.s32 s10, $0x1;
	s10 =	sld [smem:$0x3FBA]  }
0x3d: {  	_ =	shalt  }
0x3e: {  	_ =	shalt  }
0x3f: {  	_ =	shalt  }
0x40: {  	_ =	shalt  }
0x41: {  	_ =	shalt  }
0x42: {  	_ =	shalt  }
0x43: {  	_ =	shalt  }
0x44: {  	_ =	shalt  }
0x45: {  	_ =	shalt  }
0x46: {  	_ =	shalt  }
0x47: {  	_ =	shalt  }
0x48: {  	_ =	shalt  }
0x49: {  	_ =	shalt  }
0x4a: {  	_ =	shalt  }
0x4b: {  	_ =	shalt  }
0x4c: {  	_ =	shalt  }
0x4d: {  	_ =	shalt  }
0x4e: {  	_ =	shalt  }
0x4f: {  	_ =	shalt  }
0x50: {  	_ =	shalt  }
0x51: {  	_ =	shalt  }
0x52: {  	_ =	shalt  }
0x53: {  	_ =	shalt  }
0x54: {  	_ =	shalt  }
0x55: {  	_ =	shalt  }
0x56: {  	_ =	shalt  }
0x57: {  	_ =	shalt  }
0x58: {  	_ =	shalt  }
0x59: {  	_ =	shalt  }
0x5a: {  	_ =	shalt  }
0x5b: {  	_ =	shalt  }
0x5c: {  	_ =	shalt  }
0x5d: {  	_ =	shalt  }
0x5e: {  	_ =	shalt  }
0x5f: {  	_ =	shalt  }
0x60: {  	_ =	shalt  }
0x61: {  	_ =	shalt  }
0x62: {  	_ =	shalt  }
0x63: {  	_ =	shalt  }
0x64: {  	_ =	shalt  }
0x65: {  	_ =	shalt  }
0x66: {  	_ =	shalt  }
0x67: {  	_ =	shalt  }
0x68: {  	_ =	shalt  }
0x69: {  	_ =	shalt  }
0x6a: {  	_ =	shalt  }
0x6b: {  	_ =	shalt  }
0x6c: {  	_ =	shalt  }
0x6d: {  	_ =	shalt  }
0x6e: {  	_ =	shalt  }
0x6f: {  	_ =	shalt  }
0x70: {  	_ =	shalt  }
0x71: {  	_ =	shalt  }
0x72: {  	_ =	shalt  }
0x73: {  	_ =	shalt  }
0x74: {  	_ =	shalt  }
0x75: {  	_ =	shalt  }
0x76: {  	_ =	shalt  }
0x77: {  	_ =	shalt  }
0x78: {  	_ =	shalt  }
0x79: {  	_ =	shalt  }
0x7a: {  	_ =	shalt  }
0x7b: {  	_ =	shalt  }
0x7c: {  	_ =	shalt  }
0x7d: {  	_ =	shalt  }
0x7e: {  	_ =	shalt  }
0x7f: {  	_ =	shalt  }
0x80: {  	_ =	shalt  }
0x81: {  	_ =	shalt  }
0x82: {  	_ =	shalt  }
0x83: {  	_ =	shalt  }
0x84: {  	_ =	shalt  }
0x85: {  	_ =	shalt  }
0x86: {  	_ =	shalt  }
0x87: {  	_ =	shalt  }
.Lfunc_end0:
.L_simem_size_0:
called_computation_lowered:
.L_overlay_start_0:
0x88: {  	s2 =	sld [smem:$0x3FD9]  }
0x89: {  	s3 =	sld [smem:$0x3FFE];
	_ =	sdelay $0x1  }
0x8a: {  	s1 =	srdreg.scid  }
0x8b: {  	s0 =	sand.u32 $0x1, s1  }
0x8c: {  	s16 =	sshll.u32 s0, $0xA;
	s2 =	sadd.s32 s3, s2  }
0x8d: {  	s2 =	sadd.s32 s2, s16  }
0x8e: {  	[smem:$0x3FC6] =	sst s2  }
0x8f: {  	_ = 	snop  }
0x90: {  	(tm) =	ssettm $0x1  }
0x91: {  	s17 =	sld [smem:$0x3FFB];
	_ =	sdelay $0x3  }
0x92: {  	_ =	strace s17  }
0x93: {  	s2 =	sld [smem:$0x3FFC];
	_ =	sdelay $0x3  }
0x94: {  	_ =	strace s2  }
0x95: {  	s2 =	sld [smem:$0x3FFD];
	_ =	sdelay $0x3  }
0x96: {  	_ =	strace s2  }
0x97: {  	_ =	strace $0x8FFFFFFF  }
0x98: {  	s18 =	sld [smem:$0x3FDB];
	_ =	sdelay $0x1  }
0x99: {  	s19 =	simm.s32 $_scs_section_size  }
0x9a: {  	s4 =	simm.s32 $_size__tile_overlayer_lowered;
	s5 =	simm.s32 $_tile_overlayer_lowered  }
0x9b: {  	s22 =	simm.s32 $0x1BFF;
	s21 =	sshll.u32 s5, $0x1;
	s2 =	sadd.s32 s19, s18  }
0x9c: {  	s6 =	simm.s32 $0x0;
	s20 =	sshll.u32 s4, $0x1;
	s4 =	sadd.s32 s21, s2  }
0x9d: {  	[timem:s6], [sflag:s22] =	dma.local [hbm:s4], s20  }
0x9e: {  	_ =	swait.ge [sflag:s22], s20  }
0x9f: {  	s3 =	ssub.s32 $0x0, s20;
	[sflag:s22] =	ssyncset.done $0x0  }
0xa0: {  	[sflag:s22] =	ssyncadd.s32 s3;
	_ =	sdelay $0x1  }
0xa1: {  	s23 =	simm.s32 $0x1B8B  }
0xa2: {  	_ =	swait.ge [sflag:s23], $0x1  }
0xa3: {  	[sflag:s23] =	ssyncset.done $0x0  }
0xa4: {  	s25 =	simm.s32 $0x1B8E;
	s24 =	sld [smem:$0x3FFE];
	[sflag:s23] =	ssyncadd.s32 $0xFFFFFFFF  }
0xa5: {  	s26 =	simm.s32 $execute0_lowered;
	[smem:$0x3FD2] =	sst s25  }
0xa6: {  	s4 =	sshll.u32 s26, $0x1;
	_ =	strace $0x80000046;
	[dreg:$0x1] =	wrdreg $0xFFFFFFFF  }
0xa7: {  	s28 =	simm.s32 $_size_execute0_lowered;
	s2 =	sadd.s32 s2, s4;
	[dreg:$0x0] =	wrdreg $0x0  }
0xa8: {  	s4 =	sshll.u32 s28, $0x1;
	[dreg:$0x2] =	wrdreg s2  }
0xa9: {  	[dreg:$0x3] =	wrdreg s4  }
0xaa: {  	[dreg:$0x4] =	wrdreg $0xC0  }
0xab: {  	_ =	task [dreg:s6], $0x5FFFF  }
0xac: {  	[dreg:$0x1] =	wrdreg $0xFFFFFFFF  }
0xad: {  	[dreg:$0x0] =	wrdreg $0x60  }
0xae: {  	[dreg:$0x2] =	wrdreg s24  }
0xaf: {  	[dreg:$0x3] =	wrdreg $0x9  }
0xb0: {  	_ =	task.clear_ibuf [dreg:s6], $0x4FFFF;
	_ =	strace $0x90000046  }
0xb1: {  	s29 =	simm.s32 $0x9;
	_ =	strace $0x80000048  }
0xb2: {  	_ =	swait.ge [sflag:s29], $0x1  }
0xb3: {  	[sflag:s29] =	ssyncadd.s32 $0xFFFFFFFF  }
0xb4: {  	_ =	strace $0x90000048  }
0xb5: {  	_ =	sfence  }
0xb6: {  	s30 =	sld [smem:$0x0];
	_ =	sdelay $0x2  }
0xb7: {  	s31 =	sshll.u32 s1, $0xD;
	s1 =	sshrl.u32 s1, $0x2  }
0xb8: {  	s3 =	sand.u32 $0x4000, s31;
	s1 =	sadd.s32 s1, s30  }
0xb9: {  	s0 =	sor.u32 s3, s0;
	s1 =	sshll.u32 s1, $0x11  }
0xba: {  	s0 =	sor.u32 s1, s0  }
0xbb: {  	s0 =	sadd.s32 $0x8F2B, s0  }
0xbc: {  	[sflag:s0] =	ssyncadd.remote.s32 $0x1  }
0xbd: {  	_ =	sfence.sel $0xFFFF  }
0xbe: {  	[dreg:$0x0] =	wrdreg $0xFFFFFFFF;
	(pc) =	sbr.abs _section_cstart, $3  }
0xbf: {  	[dreg:$0x1] =	wrdreg $0xFFFFFFFF  }
0xc0: {  	_ =	task.clear_ibuf [dreg:s6], $0x2FFFF;
	_ =	strace $0x9FFFFFFF  }
0xc1: {  	(tm) =	ssettm $0x7FFFFFFF  }
tec
execute0_lowered:
.L_overlay_start_1:
0x0: {  	(tag) =	ssettag $0x1  }
0x1: {  	s5 =	rddreg [dreg:$0x0]  }
0x2: {  	s0 =	rddreg [dreg:$0x1]  }
0x3: {  	s2 =	simm.s32 $0x0;
	s1 =	stileid.u32;
	s3 =	srdreg.scid  }
0x4: {  	s12 =	simm.s32 $0x1;
	s13 =	simm.s32 $0x18130;
	s14 =	simm.s32 $0x0  }
0x5: {  	s4 =	sshrl.u32 s1, $0x3;
	s6 =	sand.u32 $0x1, s3;
	s29 =	sshll.u32 s1, $0x1  }
0x6: {  	[smem:$0x7FF] =	sst s2;
	s11 =	sshll.u32 s1, $0x9;
	s7 =	smul.u32 $0x2800, s4  }
0x7: {  	s3 =	sor.u32 s6, s29;
	_ =	strace $0x80000047;
	s9 =	ssub.s32 $0x2, s6  }
0x8: {  	s30 =	smul.u32 $0x600, s4;
	s6 =	sshll.u32 s6, $0x8;
	s8 =	sshll.u32 s3, $0x1  }
0x9: {  	s10 =	sshrl.u32 s9, $0x1;
	s3 =	sshll.u32 s3, $0x8;
	s31 =	sor.u32 s6, s11  }
0xa: {  	s11 =	simm.s32 $0x17000;
	s7 =	sadd.s32 s7, s5;
	s8 =	sadd.s32 s8, s5  }
0xb: {  	s9 =	ssub.s32 s9, s10;
	s3 =	sand.u32 $0xF00, s3;
	s5 =	sadd.s32 s5, s30  }
0xc: {  	s10 =	simm.s32 $0x2;
	s4 =	sadd.s32 $0xC00, s7;
	s6 =	sadd.s32 $0x5C00, s8  }
0xd: {  	v0 =	vimm.s32 $0x0;
	v1 =	vimm.s32 $0x1;
	v2 =	vlaneseq.u32;
	s7 =	smax.u32 s9, $0x1;
	s8 =	sand.u32 $0xF00, s31;
	s9 =	simm.s32 $0x3000  }
.LBB2_1:
0xe: {  	[tilespmem:s9], [sflag:$0x1] =	stream.linear.gather [hbm4b:s4+s2], $0x14000, $0x38;
	[tilespmem:$0x18140] =	vst v63  }
0xf: {  	_ = 	snop  }
0x10: {  	[tilespmem:s2], [sflag:$0x2] =	stream.linear.gather [hbm4b:s5+s2], $0x3000, $0x38;
	[tilespmem:$0x18140] =	vst v63  }
0x11: {  	_ =	swait.ge [sflag:s10], $0x3000  }
0x12: {  	[sflag:s10] =	ssyncset.done $0x0  }
0x13: {  	[sflag:s10] =	ssyncadd.s32 $0xFFFFD000  }
0x14: {  	s15 =	simm.s32 $0x0;
	[tilespmem:$0x17000] =	vst v0  }
.LBB2_2:
0x15: {  	s16 =	sor.u32 s3, s15  }
0x16: {  	v3 =	vmov s16  }
0x17: {  	v4 =	vand.u32 $0xFFF, v3  }
0x18: {  	v5 =	vor.u32 $0x1000, v4  }
0x19: {  	v6 =	vor.u32 $0x2000, v4;
	_ =	sdelay $0x1  }
0x1a: {  	s17 =	simm.s32 $0x0  }
0x1b: {  	v3 =	vld.idx.msk [tilespmem:v3+s17+$0x0], $0xffff  }
0x1c: {  	v4 =	vld.idx.msk [tilespmem:v5+s17+$0x0], $0xffff  }
0x1d: {  	s19 =	simm.s32 $0xFFFFFFFF;
	s18 =	simm.s32 $0x1080;
	s16 =	simm.s32 $0xF0;
	v5 =	vld.idx.msk [tilespmem:v6+s17+$0x0], $0xffff  }
.LBB2_3:
0x1e: {  	v6 =	vld [tilespmem:s18+$0xFFFFEF80]  }
0x1f: {  	v7 =	vld [tilespmem:s18+$0xFFFFFF80]  }
0x20: {  	v8 =	vld [tilespmem:s18+$0xF80]  }
0x21: {  	v9 =	vld [tilespmem:s18+$0xFFFFEF90]  }
0x22: {  	v10 =	vld [tilespmem:s18+$0xFFFFFF90]  }
0x23: {  	v11 =	vld [tilespmem:s18+$0xF90]  }
0x24: {  	v13 =	vld [tilespmem:s18+$0xFFFFFFA0]  }
0x25: {  	v14 =	vld [tilespmem:s18+$0xFFFFEFB0]  }
0x26: {  	v30 =	vld [tilespmem:s18+$0xFFFFEFC0]  }
0x27: {  	v17 =	vld [tilespmem:s18+$0xFFFFFFD0]  }
0x28: {  	v18 =	vld [tilespmem:s18+$0xFFFFEFE0]  }
0x29: {  	v46 =	vld [tilespmem:s18+$0xFFFFEFF0]  }
0x2a: {  	v47 =	vld [tilespmem:s18+$0xFFFFFFF0];
	v6 =	vsub.f32 v6, v3  }
0x2b: {  	v49 =	vld [tilespmem:s18+$0xFF0];
	v7 =	vsub.f32 v7, v4;
	v8 =	vsub.f32 v8, v5  }
0x2c: {  	v22 =	vld [tilespmem:s18+$0x0];
	v9 =	vsub.f32 v9, v3;
	v10 =	vsub.f32 v10, v4  }
0x2d: {  	v57 =	vld [tilespmem:s18+$0x10];
	v11 =	vsub.f32 v11, v5;
	v29 =	vsub.f32 v13, v4  }
0x2e: {  	v52 =	vld [tilespmem:s18+$0x1000];
	v14 =	vsub.f32 v14, v3;
	v13 =	vsub.f32 v30, v3  }
0x2f: {  	v28 =	vld [tilespmem:s18+$0xFB0];
	v43 =	vsub.f32 v17, v4;
	v48 =	vsub.f32 v18, v3  }
0x30: {  	v35 =	vld [tilespmem:s18+$0xFFFFEFD0];
	v55 =	vsub.f32 v46, v3;
	v56 =	vsub.f32 v47, v4  }
0x31: {  	v12 =	vld [tilespmem:s18+$0xFFFFEFA0];
	v59 =	vsub.f32 v49, v5;
	v62 =	vsub.f32 v22, v4;
	v6 =	vmul.f32 v6, v6  }
0x32: {  	v31 =	vld [tilespmem:s18+$0xFFFFFFC0];
	v17 =	vsub.f32 v57, v4;
	v7 =	vmul.f32 v7, v7;
	v9 =	vmul.f32 v9, v9  }
0x33: {  	v26 =	vld [tilespmem:s18+$0xFA0];
	v30 =	vsub.f32 v52, v5;
	v10 =	vmul.f32 v10, v10;
	v27 =	vmul.f32 v11, v11  }
0x34: {  	v32 =	vld [tilespmem:s18+$0xFC0];
	v11 =	vsub.f32 v28, v5;
	v34 =	vmul.f32 v14, v14;
	v13 =	vmul.f32 v13, v13  }
0x35: {  	v38 =	vld [tilespmem:s18+$0xFD0];
	v14 =	vsub.f32 v35, v3;
	v6 =	vadd.f32 v7, v6;
	v7 =	vmul.f32 v8, v8  }
0x36: {  	v40 =	vld [tilespmem:s18+$0xFFFFFFE0];
	v20 =	vmul.f32 v48, v48;
	v61 =	vmul.f32 v55, v55;
	v9 =	vadd.f32 v10, v9  }
0x37: {  	v17 =	vmul.f32 v17, v17;
	v35 =	vld [tilespmem:s18+$0xFFFFF040];
	v10 =	vsub.f32 v31, v4;
	v6 =	vadd.f32 v7, v6  }
0x38: {  	v8 =	vsub.f32 v26, v5;
	v11 =	vmul.f32 v11, v11;
	v7 =	vld [tilespmem:s18+$0xFFFFFFB0];
	v9 =	vadd.f32 v27, v9  }
0x39: {  	v23 =	vld [tilespmem:s18+$0xFFFFF020];
	v14 =	vmul.f32 v14, v14;
	v10 =	vmul.f32 v10, v10;
	vm0 =	vlt.f32 v6, $3.999999910e-02  }
0x3a: {  	v44 =	vld [tilespmem:s18+$0xFE0];
	v6 =	vsub.f32 v12, v3;
	v12 =	vmul.f32 v29, v29;
	vm1 =	vlt.f32 v9, $3.999999910e-02  }
0x3b: {  	v63 =	vld [tilespmem:s18+$0x20];
	v10 =	vadd.f32 v10, v13;
	v9 =	vsub.f32 v40, v4;
	v13 =	vmul.f32 v56, v56  }
0x3c: {  	v25 =	vld [tilespmem:s18+$0x30];
	v47 =	vsub.f32 v35, v3;
	v15 =	vmpcnt.ones.xlane vm0;
	v16 =	vmul.f32 v6, v6  }
0x3d: {  	v29 =	vld [tilespmem:s18+$0xFFFFF030];
	v21 =	vmul.f32 v9, v9;
	v13 =	vadd.f32 v13, v61;
	v7 =	vsub.f32 v7, v4  }
0x3e: {  	v6 =	vadd.s32 s19, v15;
	v15 =	vsub.f32 v32, v5;
	v32 =	vsub.f32 v23, v3  }
0x3f: {  	v50 =	vld [tilespmem:s18+$0xFFFFF000];
	v8 =	vmul.f32 v8, v8;
	v33 =	vadd.f32 v12, v16;
	v12 =	vsub.f32 v38, v5  }
0x40: {  	v60 =	vld [tilespmem:s18+$0x1010];
	v36 =	vmpcnt.ones.xlane vm1;
	v16 =	vsub.f32 v44, v5;
	v53 =	vadd.f32 v21, v20  }
0x41: {  	v28 =	vld [tilespmem:s18+$0x1020];
	v20 =	vsub.f32 v63, v4;
	v38 =	vsub.f32 v25, v4;
	v7 =	vmul.f32 v7, v7  }
0x42: {  	v42 =	vmul.f32 v15, v15;
	v15 =	vmul.f32 v43, v43;
	v22 =	vsub.f32 v29, v3  }
0x43: {  	v8 =	vadd.f32 v8, v33;
	v12 =	vmul.f32 v12, v12;
	v16 =	vmul.f32 v16, v16  }
0x44: {  	v20 =	vmul.f32 v20, v20;
	v37 =	vadd.f32 v7, v34;
	v10 =	vadd.f32 v42, v10  }
0x45: {  	v7 =	vadd.s32 v6, v36;
	v14 =	vadd.f32 v15, v14;
	v15 =	vsub.f32 v50, v3  }
0x46: {  	v52 =	vld [tilespmem:s18+$0x60];
	v34 =	vsub.f32 v60, v5;
	v36 =	vsub.f32 v28, v5;
	vm2 =	vlt.f32 v8, $3.999999910e-02  }
0x47: {  	v33 =	vld [tilespmem:s18+$0x1030];
	v42 =	vmul.f32 v38, v38;
	v39 =	vadd.f32 v11, v37;
	v41 =	vmpcnt.ones.xlane vm2  }
0x48: {  	v43 =	vld [tilespmem:s18+$0x1040];
	v51 =	vadd.f32 v12, v14;
	v14 =	vadd.f32 v16, v53;
	v16 =	vmul.f32 v59, v59  }
0x49: {  	v55 =	vld [tilespmem:s18+$0x70];
	vm4 =	vlt.f32 v10, $3.999999910e-02;
	v15 =	vmul.f32 v15, v15;
	v18 =	vmul.f32 v36, v36  }
0x4a: {  	v50 =	vld [tilespmem:s18+$0xFFFFF060];
	v19 =	vmpcnt.ones.xlane vm4;
	vm3 =	vlt.f32 v39, $3.999999910e-02;
	v8 =	vadd.s32 v7, v41  }
0x4b: {  	vm5 =	vlt.f32 v51, $3.999999910e-02;
	vm6 =	vlt.f32 v14, $3.999999910e-02;
	v14 =	vmul.f32 v62, v62  }
0x4c: {  	v54 =	vld [tilespmem:s18+$0xFFFFF010];
	v13 =	vadd.f32 v16, v13;
	v16 =	vmul.f32 v30, v30;
	v46 =	vsub.f32 v33, v5  }
0x4d: {  	v37 =	vld [tilespmem:s18+$0x40];
	v41 =	vmul.f32 v22, v22;
	v51 =	vsub.f32 v43, v5;
	v62 =	vsub.f32 v52, v4  }
0x4e: {  	v22 =	vsub.f32 v55, v4;
	v45 =	vmpcnt.ones.xlane vm3;
	v58 =	vmpcnt.ones.xlane vm5  }
0x4f: {  	v39 =	vld [tilespmem:s18+$0xFFFFF050];
	v24 =	vmpcnt.ones.xlane vm6;
	v61 =	vsub.f32 v50, v3;
	v14 =	vadd.f32 v14, v15  }
0x50: {  	vm7 =	vlt.f32 v13, $3.999999910e-02;
	v13 =	vmul.f32 v34, v34;
	v21 =	vmul.f32 v62, v62  }
0x51: {  	v53 =	vld [tilespmem:s18+$0xFFFFF070];
	v22 =	vmul.f32 v22, v22;
	v10 =	vadd.s32 v8, v45;
	v44 =	vmpcnt.ones.xlane vm7  }
0x52: {  	v40 =	vld [tilespmem:s18+$0x50];
	v48 =	vsub.f32 v37, v4;
	v9 =	vadd.s32 v10, v19;
	v19 =	vsub.f32 v54, v3  }
0x53: {  	v14 =	vadd.f32 v16, v14;
	v16 =	vadd.f32 v42, v41;
	v54 =	vmul.f32 v51, v51  }
0x54: {  	v45 =	vld [tilespmem:s18+$0x1050];
	v11 =	vadd.s32 v9, v58;
	v49 =	vsub.f32 v39, v3;
	v31 =	vmul.f32 v19, v19  }
0x55: {  	v12 =	vadd.s32 v11, v24;
	v19 =	vmul.f32 v32, v32;
	vm10 =	vlt.f32 v14, $3.999999910e-02  }
0x56: {  	v14 =	vmul.f32 v46, v46;
	v24 =	vsub.f32 v53, v3;
	v15 =	vadd.f32 v17, v31  }
0x57: {  	v58 =	vld [tilespmem:s18+$0x1070];
	v56 =	vmpcnt.ones.xlane vm10;
	v19 =	vadd.f32 v20, v19;
	v20 =	vsub.f32 v40, v4  }
0x58: {  	v17 =	vmul.f32 v48, v48;
	v14 =	vadd.f32 v14, v16;
	v13 =	vadd.f32 v13, v15  }
0x59: {  	v57 =	vld [tilespmem:s18+$0x1060];
	v24 =	vmul.f32 v24, v24;
	v18 =	vadd.f32 v18, v19;
	v19 =	vsub.f32 v45, v5  }
0x5a: {  	v20 =	vmul.f32 v20, v20;
	v15 =	vadd.s32 v12, v44;
	vm11 =	vlt.f32 v14, $3.999999910e-02  }
0x5b: {  	v14 =	vmul.f32 v61, v61;
	vm9 =	vlt.f32 v13, $3.999999910e-02;
	v13 =	vmul.f32 v47, v47  }
0x5c: {  	v16 =	vsub.f32 v58, v5;
	vm8 =	vlt.f32 v18, $3.999999910e-02;
	v18 =	vmul.f32 v49, v49  }
0x5d: {  	v22 =	vadd.f32 v22, v24;
	v59 =	vadd.s32 v15, v56;
	v13 =	vadd.f32 v17, v13  }
0x5e: {  	v27 =	vmpcnt.ones.xlane vm11;
	v18 =	vadd.f32 v20, v18;
	v20 =	vsub.f32 v57, v5  }
0x5f: {  	v19 =	vmul.f32 v19, v19;
	v14 =	vadd.f32 v21, v14;
	v16 =	vmul.f32 v16, v16  }
0x60: {  	v60 =	vmpcnt.ones.xlane vm9;
	v13 =	vadd.f32 v54, v13;
	v20 =	vmul.f32 v20, v20  }
0x61: {  	(xrf0) =	vadd.scan.msk.s32 vm0, v1;
	v63 =	vmpcnt.ones.xlane vm8;
	v16 =	vadd.f32 v16, v22;
	v18 =	vadd.f32 v19, v18  }
0x62: {  	(xrf0) =	vadd.scan.msk.s32 vm1, v1;
	v19 =	vadd.s32 v59, v60;
	vm13 =	vlt.f32 v13, $3.999999910e-02;
	v28 =	vadd.f32 v20, v14  }
0x63: {  	(xrf0) =	vadd.scan.msk.s32 vm2, v1;
	v26 =	vadd.s32 v19, v63;
	vm12 =	vlt.f32 v18, $3.999999910e-02;
	v29 =	vmpcnt.ones.xlane vm13  }
0x64: {  	(xrf0) =	vadd.scan.msk.s32 vm3, v1;
	v30 =	vadd.s32 v26, v27;
	v31 =	vmpcnt.ones.xlane vm12;
	vm14 =	vlt.f32 v28, $3.999999910e-02  }
0x65: {  	(xrf0) =	vadd.scan.msk.s32 vm4, v1;
	vm15 =	vlt.f32 v16, $3.999999910e-02;
	v32 =	vadd.s32 v30, v29;
	v33 =	vmpcnt.ones.xlane vm14  }
0x66: {  	(xrf0) =	vadd.scan.msk.s32 vm5, v1;
	v35 =	vmpcnt.ones.xlane vm15;
	v34 =	vadd.s32 v32, v31  }
0x67: {  	v36, _, _ =	vpop (xrf0);
	(xrf0) =	vadd.scan.msk.s32 vm6, v1;
	v14 =	vadd.s32 v34, v33  }
0x68: {  	v37, _, _ =	vpop (xrf0);
	(xrf0) =	vadd.scan.msk.s32 vm7, v1;
	v20 =	vadd.s32 v14, v35  }
0x69: {  	v6 =	vadd.s32 v6, v37;
	v38, _, _ =	vpop (xrf0);
	(xrf0) =	vadd.scan.msk.s32 vm10, v1;
	(v2sf) =	vpush v20, $0x0  }
0x6a: {  	v7 =	vadd.s32 v7, v38;
	v39, _, _ =	vpop (xrf0);
	(xrf0) =	vadd.scan.msk.s32 vm9, v1  }
0x6b: {  	v8 =	vadd.s32 v8, v39;
	v40, _, _ =	vpop (xrf0);
	(xrf0) =	vadd.scan.msk.s32 vm8, v1  }
0x6c: {  	s31 =	sadd.s32 $0xFFFFFF20, s16;
	v10 =	vadd.s32 v10, v40;
	v42, _, _ =	vpop (xrf0);
	(xrf0) =	vadd.scan.msk.s32 vm11, v1  }
0x6d: {  	s20 =	sadd.s32 $0xFFFFFF30, s16;
	v43 =	vor.u32 s31, v2;
	v9 =	vadd.s32 v9, v42;
	v44, _, _ =	vpop (xrf0);
	(xrf0) =	vadd.scan.msk.s32 vm13, v1  }
0x6e: {  	s21 =	sadd.s32 $0xFFFFFF40, s16;
	[tilespmem:v6+s11+$0x0] =	vst.idx.msk vm1, v43;
	v6 =	vor.u32 s20, v2;
	v11 =	vadd.s32 v11, v44;
	v45, _, _ =	vpop (xrf0)  }
0x6f: {  	s22 =	sadd.s32 $0xFFFFFF50, s16;
	[tilespmem:v7+s11+$0x0] =	vst.idx.msk vm2, v6;
	v6 =	vor.u32 s21, v2;
	v7 =	vadd.s32 v12, v45;
	v46, _, _ =	vpop (xrf0)  }
0x70: {  	s23 =	sadd.s32 $0xFFFFFF60, s16;
	[tilespmem:v8+s11+$0x0] =	vst.idx.msk vm3, v6;
	v6 =	vor.u32 s22, v2;
	v48, _, _ =	vpop (xrf0)  }
0x71: {  	s24 =	sadd.s32 $0xFFFFFF70, s16;
	[tilespmem:v10+s11+$0x0] =	vst.idx.msk vm4, v6;
	v6 =	vor.u32 s23, v2;
	v49, _, _ =	vpop (xrf0)  }
0x72: {  	s25 =	sadd.s32 $0xFFFFFF80, s16;
	[tilespmem:v9+s11+$0x0] =	vst.idx.msk vm5, v6;
	v6 =	vor.u32 s24, v2;
	(xrf0) =	vadd.scan.msk.s32 vm12, v1;
	v51, _, _ =	vpop (xrf0)  }
0x73: {  	v47 =	vadd.s32 v15, v46;
	[tilespmem:v11+s11+$0x0] =	vst.idx.msk vm6, v6;
	v6 =	vor.u32 s25, v2;
	(xrf0) =	vadd.scan.msk.s32 vm14, v1;
	v53, _, _ =	vpop (xrf0)  }
0x74: {  	[tilespmem:v7+s11+$0x0] =	vst.idx.msk vm7, v6;
	(xrf0) =	vadd.scan.msk.s32 vm15, v1;
	v7 =	vadd.s32 v30, v53  }
0x75: {  	v22 =	vadd.s32 s19, v36  }
0x76: {  	s26 =	sadd.s32 $0xFFFFFF90, s16;
	v50 =	vadd.s32 v59, v48  }
0x77: {  	s31 =	sadd.s32 $0xFFFFFFD0, s16;
	v6 =	vor.u32 s26, v2;
	v52 =	vadd.s32 v19, v49  }
0x78: {  	s30 =	sadd.s32 $0xFFFFFF10, s16;
	s20 =	sadd.s32 $0xFFFFFFE0, s16;
	v63 =	vor.u32 s31, v2;
	[tilespmem:v47+s11+$0x0] =	vst.idx.msk vm10, v6;
	v54 =	vadd.s32 v26, v51;
	v55, _, _ =	vpop (xrf0);
	s19 =	spop (v2sf)  }
0x79: {  	s28 =	sadd.s32 $0xFFFFFFA0, s16;
	p0 =	sgt.u32 s17, $0xE;
	v41 =	vor.u32 s30, v2;
	v56, _, _ =	vpop (xrf0);
	v6 =	vadd.s32 v32, v55;
	[tilespmem:v7+s11+$0x0] =	vst.idx.msk vm13, v63;
	v7 =	vor.u32 s20, v2;
	s20 =	sadd.s32 $0x1, s19  }
0x7a: {  	s29 =	sadd.s32 $0xFFFFFFB0, s16;
	v57 =	vor.u32 s28, v2;
	[tilespmem:v22+s11+$0x0] =	vst.idx.msk vm0, v41;
	v59 =	vadd.s32 v34, v56;
	v60, _, _ =	vpop (xrf0);
	p1 =	slt.s32 @!p0 s20, $0x10  }
0x7b: {  	s30 =	sadd.s32 $0xFFFFFFC0, s16;
	v58 =	vor.u32 s29, v2;
	[tilespmem:v50+s11+$0x0] =	vst.idx.msk vm9, v57;
	v61 =	vadd.s32 v14, v60;
	p0 =	por p0, !p1  }
.Ltmp0:
0x7c: {  	v62 =	vor.u32 s30, v2;
	[tilespmem:v52+s11+$0x0] =	vst.idx.msk vm8, v58;
	(pc) =	sbr.rel @!p0 .LBB2_3-.Ltmp0, $4  }
0x7d: {  	s21 =	sadd.s32 $0xFFFFFFF0, s16;
	[tilespmem:v54+s11+$0x0] =	vst.idx.msk vm11, v62  }
0x7e: {  	[tilespmem:v6+s11+$0x0] =	vst.idx.msk vm12, v7;
	v6 =	vor.u32 s21, v2  }
0x7f: {  	[tilespmem:v59+s11+$0x0] =	vst.idx.msk vm14, v6;
	v6 =	vor.u32 s16, v2  }
0x80: {  	s17 =	sadd.s32 $0x1, s17;
	s18 =	sadd.s32 $0x100, s18;
	s16 =	sadd.s32 $0x100, s16;
	[tilespmem:v61+s11+$0x0] =	vst.idx.msk vm15, v6  }
0x81: {  	v3 =	vld [tilespmem:$0x17000];
	_ =	sdelay $0x1  }
0x82: {  	p0 =	sgt.s32 s20, $0x1;
	s31 =	sshll.u32 s15, $0x4;
	s15 =	sadd.s32 $0x1, s15  }
0x83: {  	s20 =	simm.s32 @!p0 $0x1;
	p0 =	sne.s32 s15, $0x100  }
.Ltmp1:
0x84: {  	s16 =	smin.u32 s20, $0x10;
	(pc) =	sbr.rel @p0 .LBB2_2-.Ltmp1, $4  }
0x85: {  	v4 =	vmov s16;
	v5 =	vbroadcast v3, $0x0  }
0x86: {  	vm0 =	vgt.u32 v4, v2  }
0x87: {  	s16 =	sand.u32 $0x3FFFFFF0, s31;
	v3 =	vsel vm0, v3, v5  }
0x88: {  	[tilespmem:s16+$0x17130] =	vst v3  }
0x89: {  	_ =	swait.ge [sflag:s12], $0x14000  }
0x8a: {  	[sflag:s12] =	ssyncset.done $0x0  }
0x8b: {  	s15 =	simm.s32 $0x0;
	v5 =	vmov s8;
	[sflag:s12] =	ssyncadd.s32 $0xFFFEC000  }
0x8c: {  	v3 =	vor.u32 $0x12000, v5;
	v4 =	vld [tilespmem:s15+$0x17130]  }
0x8d: {  	v8 =	vor.u32 $0x11000, v5  }
0x8e: {  	v11 =	vor.u32 $0x10000, v5  }
0x8f: {  	v16 =	vor.u32 $0xD000, v5  }
0x90: {  	v6 =	vld.idx.msk [tilespmem:v5+s9+$0x0], $0xffff  }
0x91: {  	v7 =	vld.idx.msk [tilespmem:v3+s9+$0x0], $0xffff;
	v12 =	vadd.s32 $0x12000, v4  }
0x92: {  	v13 =	vor.u32 $0xF000, v5;
	v10 =	vld.idx.msk [tilespmem:v8+s9+$0x0], $0xffff  }
0x93: {  	v8 =	vld.idx.msk [tilespmem:v11+s9+$0x0], $0xffff;
	v14 =	vadd.s32 $0x11000, v4  }
0x94: {  	v3 =	vor.u32 $0xE000, v5;
	v16 =	vld.idx.msk [tilespmem:v16+s9+$0x0], $0xffff  }
0x95: {  	v15 =	vadd.s32 $0x10000, v4;
	v9 =	vld.idx.msk [tilespmem:v4+s9+$0x0], $0xffff  }
0x96: {  	v17 =	vadd.s32 $0xF000, v4;
	v11 =	vld.idx.msk [tilespmem:v12+s9+$0x0], $0xffff  }
0x97: {  	v18 =	vor.u32 $0xC000, v5;
	v12 =	vld.idx.msk [tilespmem:v13+s9+$0x0], $0xffff  }
0x98: {  	v19 =	vor.u32 $0x3000, v5;
	v14 =	vld.idx.msk [tilespmem:v14+s9+$0x0], $0xffff  }
0x99: {  	v21 =	vadd.s32 $0xE000, v4;
	v13 =	vld.idx.msk [tilespmem:v3+s9+$0x0], $0xffff  }
0x9a: {  	v22 =	vor.u32 $0xA000, v5;
	v15 =	vld.idx.msk [tilespmem:v15+s9+$0x0], $0xffff  }
0x9b: {  	s16 =	smov.u32 s8;
	v20 =	vor.u32 $0xB000, v5;
	s15 =	simm.s32 $0x40;
	v3 =	vimm.f32 $0.0e+00;
	v17 =	vld.idx.msk [tilespmem:v17+s9+$0x0], $0xffff  }
.LBB2_6:
0x9c: {  	p0 =	sne.s32 s15, $0x3FC0;
	v23 =	vor.u32 $0x2000, v5;
	v18 =	vld.idx.msk [tilespmem:v18+s9+$0x0], $0xffff  }
0x9d: {  	v24 =	vadd.s32 $0xD000, v4;
	v19 =	vld.idx.msk [tilespmem:v19+s9+$0x0], $0xffff  }
0x9e: {  	v25 =	vor.u32 $0x1000, v5;
	v21 =	vld.idx.msk [tilespmem:v21+s9+$0x0], $0xffff  }
0x9f: {  	v26 =	vadd.s32 $0xC000, v4;
	v22 =	vld.idx.msk [tilespmem:v22+s9+$0x0], $0xffff  }
0xa0: {  	v27 =	vadd.s32 $0xA000, v4;
	v20 =	vld.idx.msk [tilespmem:v20+s9+$0x0], $0xffff  }
0xa1: {  	v28 =	vadd.s32 $0x1000, v4;
	v23 =	vld.idx.msk [tilespmem:v23+s9+$0x0], $0xffff  }
0xa2: {  	v29 =	vadd.s32 $0xB000, v4;
	v24 =	vld.idx.msk [tilespmem:v24+s9+$0x0], $0xffff  }
0xa3: {  	v30 =	vadd.s32 $0x2000, v4;
	s16 =	sadd.s32 $0x1, s16;
	v25 =	vld.idx.msk [tilespmem:v25+s9+$0x0], $0xffff  }
0xa4: {  	v32 =	vadd.s32 $0x3000, v4;
	v31 =	vmov s16;
	v26 =	vld.idx.msk [tilespmem:v26+s9+$0x0], $0xffff  }
0xa5: {  	v34 =	vor.u32 $0x13000, v5;
	v33 =	vor.u32 $0x12000, v31;
	v27 =	vld.idx.msk [tilespmem:v27+s9+$0x0], $0xffff  }
0xa6: {  	v36 =	vor.u32 $0x4000, v5;
	v37 =	vor.u32 $0x9000, v5;
	v35 =	vor.u32 $0x11000, v31;
	v28 =	vld.idx.msk [tilespmem:v28+s9+$0x0], $0xffff  }
0xa7: {  	v39 =	vadd.s32 $0x4000, v4;
	v40 =	vor.u32 $0x8000, v5;
	v38 =	vor.u32 $0x10000, v31;
	v29 =	vld.idx.msk [tilespmem:v29+s9+$0x0], $0xffff  }
0xa8: {  	v6 =	vsub.f32 v9, v6;
	v41 =	vor.u32 $0x7000, v5;
	v9 =	vld.idx.msk [tilespmem:v30+s9+$0x0], $0xffff;
	v30 =	vor.u32 $0x5000, v5  }
0xa9: {  	s17 =	sshra.s32 s15, $0x2;
	v42 =	vadd.s32 $0x5000, v4;
	v14 =	vsub.f32 v14, v10;
	v43 =	vsub.f32 v11, v7;
	v32 =	vld.idx.msk [tilespmem:v32+s9+$0x0], $0xffff  }
0xaa: {  	v11 =	vor.u32 $0x6000, v5;
	v8 =	vsub.f32 v15, v8;
	v10 =	vsub.f32 v17, v12;
	v5 =	vmovc v31;
	v7 =	vld [tilespmem:s17+$0x17130]  }
0xab: {  	v13 =	vsub.f32 v21, v13;
	v12 =	vsub.f32 v24, v16;
	v16 =	vadd.s32 $0x6000, v4;
	v15 =	vld.idx.msk [tilespmem:v36+s9+$0x0], $0xffff  }
0xac: {  	v17 =	vor.u32 $0xF000, v5;
	v18 =	vsub.f32 v26, v18;
	v21 =	vsub.f32 v28, v25;
	v24 =	vld.idx.msk [tilespmem:v39+s9+$0x0], $0xffff  }
0xad: {  	v26 =	vadd.s32 $0x7000, v4;
	v22 =	vsub.f32 v27, v22;
	v20 =	vsub.f32 v29, v20;
	v25 =	vld.idx.msk [tilespmem:v30+s9+$0x0], $0xffff  }
0xae: {  	v6 =	vand.u32 $0x7FFFFFFF, v6;
	v21 =	vand.u32 $0x7FFFFFFF, v21;
	v9 =	vsub.f32 v9, v23;
	v23 =	vld.idx.msk [tilespmem:v42+s9+$0x0], $0xffff  }
0xaf: {  	v6 =	vadd.f32 v21, v6;
	v19 =	vsub.f32 v32, v19;
	v21 =	vadd.s32 $0x8000, v4;
	v11 =	vld.idx.msk [tilespmem:v11+s9+$0x0], $0xffff  }
0xb0: {  	v22 =	vand.u32 $0x7FFFFFFF, v22;
	v20 =	vand.u32 $0x7FFFFFFF, v20;
	v9 =	vand.u32 $0x7FFFFFFF, v9;
	v16 =	vld.idx.msk [tilespmem:v16+s9+$0x0], $0xffff  }
0xb1: {  	v20 =	vadd.f32 v20, v22;
	v22 =	vadd.s32 $0x9000, v4;
	v6 =	vadd.f32 v9, v6;
	v9 =	vld.idx.msk [tilespmem:v41+s9+$0x0], $0xffff  }
0xb2: {  	v18 =	vand.u32 $0x7FFFFFFF, v18;
	v19 =	vand.u32 $0x7FFFFFFF, v19;
	v15 =	vsub.f32 v24, v15;
	v24 =	vld.idx.msk [tilespmem:v26+s9+$0x0], $0xffff  }
0xb3: {  	v18 =	vadd.f32 v18, v20;
	v20 =	vadd.s32 $0x13000, v4;
	v4 =	vmovc v7;
	v6 =	vadd.f32 v19, v6;
	v19 =	vld.idx.msk [tilespmem:v40+s9+$0x0], $0xffff  }
0xb4: {  	v7 =	vand.u32 $0x7FFFFFFF, v12;
	v12 =	vand.u32 $0x7FFFFFFF, v15;
	v15 =	vsub.f32 v23, v25;
	v21 =	vld.idx.msk [tilespmem:v21+s9+$0x0], $0xffff  }
0xb5: {  	v23 =	vor.u32 $0xE000, v5;
	v7 =	vadd.f32 v7, v18;
	v6 =	vadd.f32 v12, v6;
	v12 =	vld.idx.msk [tilespmem:v37+s9+$0x0], $0xffff  }
0xb6: {  	v13 =	vand.u32 $0x7FFFFFFF, v13;
	v15 =	vand.u32 $0x7FFFFFFF, v15;
	v11 =	vsub.f32 v16, v11;
	v16 =	vld.idx.msk [tilespmem:v22+s9+$0x0], $0xffff  }
0xb7: {  	v25 =	vor.u32 $0xD000, v5;
	v7 =	vadd.f32 v13, v7;
	v13 =	vadd.f32 v15, v6;
	v15 =	vld.idx.msk [tilespmem:v34+s9+$0x0], $0xffff  }
0xb8: {  	v10 =	vand.u32 $0x7FFFFFFF, v10;
	v11 =	vand.u32 $0x7FFFFFFF, v11;
	v18 =	vsub.f32 v24, v9;
	v20 =	vld.idx.msk [tilespmem:v20+s9+$0x0], $0xffff  }
0xb9: {  	v22 =	vadd.s32 $0x12000, v4;
	v10 =	vadd.f32 v10, v7;
	v11 =	vadd.f32 v11, v13;
	v6 =	vld.idx.msk [tilespmem:v5+s9+$0x0], $0xffff  }
0xba: {  	v8 =	vand.u32 $0x7FFFFFFF, v8;
	v13 =	vand.u32 $0x7FFFFFFF, v18;
	v18 =	vsub.f32 v21, v19;
	v9 =	vld.idx.msk [tilespmem:v4+s9+$0x0], $0xffff  }
0xbb: {  	v19 =	vadd.s32 $0x11000, v4;
	v21 =	vadd.f32 v8, v10;
	v11 =	vadd.f32 v13, v11;
	v7 =	vld.idx.msk [tilespmem:v33+s9+$0x0], $0xffff  }
0xbc: {  	v13 =	vand.u32 $0x7FFFFFFF, v14;
	v14 =	vand.u32 $0x7FFFFFFF, v18;
	v12 =	vsub.f32 v16, v12;
	v10 =	vld.idx.msk [tilespmem:v35+s9+$0x0], $0xffff  }
0xbd: {  	v16 =	vadd.s32 $0x10000, v4;
	v13 =	vadd.f32 v13, v21;
	v14 =	vadd.f32 v14, v11;
	v8 =	vld.idx.msk [tilespmem:v38+s9+$0x0], $0xffff  }
0xbe: {  	v18 =	vand.u32 $0x7FFFFFFF, v43;
	v21 =	vand.u32 $0x7FFFFFFF, v12;
	v15 =	vsub.f32 v20, v15;
	v11 =	vld.idx.msk [tilespmem:v22+s9+$0x0], $0xffff  }
0xbf: {  	v24 =	vadd.s32 $0xF000, v4;
	v20 =	vadd.f32 v21, v14;
	v12 =	vld.idx.msk [tilespmem:v17+s9+$0x0], $0xffff;
	v17 =	vadd.f32 v18, v13  }
.Ltmp2:
0xc0: {  	v18 =	vor.u32 $0xC000, v5;
	v15 =	vand.u32 $0x7FFFFFFF, v15;
	v14 =	vld.idx.msk [tilespmem:v19+s9+$0x0], $0xffff;
	(pc) =	sbr.rel @p0 .LBB2_6-.Ltmp2, $4  }
0xc1: {  	v19 =	vor.u32 $0x3000, v5;
	v3 =	vadd.f32 v20, v3;
	v13 =	vld.idx.msk [tilespmem:v23+s9+$0x0], $0xffff;
	v17 =	vadd.f32 v15, v17  }
0xc2: {  	v21 =	vadd.s32 $0xE000, v4;
	v15 =	vld.idx.msk [tilespmem:v16+s9+$0x0], $0xffff  }
0xc3: {  	v22 =	vor.u32 $0xA000, v5;
	v16 =	vld.idx.msk [tilespmem:v25+s9+$0x0], $0xffff;
	v3 =	vadd.f32 v17, v3  }
0xc4: {  	s15 =	sadd.s32 $0x40, s15;
	v20 =	vor.u32 $0xB000, v5;
	v17 =	vld.idx.msk [tilespmem:v24+s9+$0x0], $0xffff  }
0xc5: {  	_ =	sdelay $0x3  }
0xc6: {  	v23 =	vor.u32 $0x2000, v5;
	v18 =	vld.idx.msk [tilespmem:v18+s9+$0x0], $0xffff  }
0xc7: {  	v24 =	vadd.s32 $0xD000, v4;
	v19 =	vld.idx.msk [tilespmem:v19+s9+$0x0], $0xffff  }
0xc8: {  	v25 =	vor.u32 $0x1000, v5;
	v21 =	vld.idx.msk [tilespmem:v21+s9+$0x0], $0xffff  }
0xc9: {  	v22 =	vld.idx.msk [tilespmem:v22+s9+$0x0], $0xffff;
	v26 =	vadd.s32 $0xC000, v4  }
0xca: {  	v27 =	vadd.s32 $0xA000, v4;
	v20 =	vld.idx.msk [tilespmem:v20+s9+$0x0], $0xffff  }
0xcb: {  	v28 =	vadd.s32 $0x1000, v4;
	v23 =	vld.idx.msk [tilespmem:v23+s9+$0x0], $0xffff  }
0xcc: {  	v29 =	vadd.s32 $0xB000, v4;
	v24 =	vld.idx.msk [tilespmem:v24+s9+$0x0], $0xffff  }
0xcd: {  	v30 =	vadd.s32 $0x2000, v4;
	v25 =	vld.idx.msk [tilespmem:v25+s9+$0x0], $0xffff  }
0xce: {  	v31 =	vadd.s32 $0x3000, v4;
	v26 =	vld.idx.msk [tilespmem:v26+s9+$0x0], $0xffff  }
0xcf: {  	v32 =	vor.u32 $0x13000, v5;
	v27 =	vld.idx.msk [tilespmem:v27+s9+$0x0], $0xffff  }
0xd0: {  	v33 =	vor.u32 $0x4000, v5;
	v34 =	vor.u32 $0x9000, v5;
	v35 =	vadd.s32 $0x4000, v4;
	v28 =	vld.idx.msk [tilespmem:v28+s9+$0x0], $0xffff  }
0xd1: {  	v36 =	vor.u32 $0x8000, v5;
	v6 =	vsub.f32 v9, v6;
	v62 =	vor.u32 $0x5000, v5;
	v29 =	vld.idx.msk [tilespmem:v29+s9+$0x0], $0xffff  }
0xd2: {  	v37 =	vor.u32 $0x7000, v5;
	v10 =	vsub.f32 v14, v10;
	v7 =	vsub.f32 v11, v7;
	v30 =	vld.idx.msk [tilespmem:v30+s9+$0x0], $0xffff  }
0xd3: {  	v38 =	vor.u32 $0x6000, v5;
	v8 =	vsub.f32 v15, v8;
	v63 =	vld.idx.msk [tilespmem:v31+s9+$0x0], $0xffff;
	v31 =	vadd.s32 $0x5000, v4  }
0xd4: {  	v41 =	vadd.s32 $0x6000, v4;
	v12 =	vsub.f32 v17, v12;
	v13 =	vsub.f32 v21, v13  }
0xd5: {  	v44 =	vadd.s32 $0x7000, v4;
	v40 =	vld.idx.msk [tilespmem:v33+s9+$0x0], $0xffff;
	v39 =	vsub.f32 v24, v16;
	v42 =	vsub.f32 v28, v25  }
0xd6: {  	v6 =	vand.u32 $0x7FFFFFFF, v6;
	v43 =	vld.idx.msk [tilespmem:v35+s9+$0x0], $0xffff;
	v18 =	vsub.f32 v26, v18;
	v22 =	vsub.f32 v27, v22  }
0xd7: {  	v9 =	vld.idx.msk [tilespmem:v62+s9+$0x0], $0xffff;
	v20 =	vsub.f32 v29, v20;
	v23 =	vsub.f32 v30, v23;
	v21 =	vand.u32 $0x7FFFFFFF, v42  }
0xd8: {  	v45 =	vadd.s32 $0x8000, v4;
	v14 =	vld.idx.msk [tilespmem:v31+s9+$0x0], $0xffff;
	v11 =	vsub.f32 v63, v19;
	v6 =	vadd.f32 v21, v6  }
0xd9: {  	v5 =	vld.idx.msk [tilespmem:v38+s9+$0x0], $0xffff;
	v46 =	vand.u32 $0x7FFFFFFF, v22;
	v20 =	vand.u32 $0x7FFFFFFF, v20;
	v47 =	vand.u32 $0x7FFFFFFF, v23  }
0xda: {  	v48 =	vadd.s32 $0x9000, v4;
	v17 =	vld.idx.msk [tilespmem:v41+s9+$0x0], $0xffff;
	v20 =	vadd.f32 v20, v46;
	v6 =	vadd.f32 v47, v6  }
0xdb: {  	v49 =	vld.idx.msk [tilespmem:v37+s9+$0x0], $0xffff;
	v16 =	vsub.f32 v43, v40;
	v18 =	vand.u32 $0x7FFFFFFF, v18;
	v11 =	vand.u32 $0x7FFFFFFF, v11  }
0xdc: {  	v51 =	vadd.s32 $0x13000, v4;
	v50 =	vld.idx.msk [tilespmem:v44+s9+$0x0], $0xffff;
	v18 =	vadd.f32 v18, v20;
	v6 =	vadd.f32 v11, v6  }
0xdd: {  	v52 =	vld.idx.msk [tilespmem:v36+s9+$0x0], $0xffff;
	v15 =	vand.u32 $0x7FFFFFFF, v39;
	v16 =	vand.u32 $0x7FFFFFFF, v16;
	v9 =	vsub.f32 v14, v9  }
0xde: {  	v53 =	vld.idx.msk [tilespmem:v45+s9+$0x0], $0xffff;
	v15 =	vadd.f32 v15, v18;
	v6 =	vadd.f32 v16, v6  }
0xdf: {  	v54 =	vld.idx.msk [tilespmem:v34+s9+$0x0], $0xffff;
	v13 =	vand.u32 $0x7FFFFFFF, v13;
	v5 =	vsub.f32 v17, v5;
	v9 =	vand.u32 $0x7FFFFFFF, v9  }
0xe0: {  	v55 =	vld.idx.msk [tilespmem:v48+s9+$0x0], $0xffff;
	v13 =	vadd.f32 v13, v15;
	v6 =	vadd.f32 v9, v6  }
0xe1: {  	v56 =	vld.idx.msk [tilespmem:v32+s9+$0x0], $0xffff;
	v12 =	vand.u32 $0x7FFFFFFF, v12;
	v57 =	vsub.f32 v50, v49;
	v5 =	vand.u32 $0x7FFFFFFF, v5  }
0xe2: {  	v4 =	vld.idx.msk [tilespmem:v51+s9+$0x0], $0xffff;
	v12 =	vadd.f32 v12, v13;
	v5 =	vadd.f32 v5, v6  }
0xe3: {  	v58 =	vand.u32 $0x7FFFFFFF, v8;
	v59 =	vand.u32 $0x7FFFFFFF, v57;
	v11 =	vsub.f32 v53, v52  }
0xe4: {  	v6 =	vadd.f32 v58, v12;
	v5 =	vadd.f32 v59, v5  }
0xe5: {  	v60 =	vand.u32 $0x7FFFFFFF, v10;
	v62 =	vsub.f32 v55, v54;
	v61 =	vand.u32 $0x7FFFFFFF, v11  }
0xe6: {  	v6 =	vadd.f32 v60, v6;
	v5 =	vadd.f32 v61, v5  }
0xe7: {  	v7 =	vand.u32 $0x7FFFFFFF, v7;
	v4 =	vsub.f32 v4, v56;
	v63 =	vand.u32 $0x7FFFFFFF, v62  }
0xe8: {  	v6 =	vadd.f32 v7, v6;
	v5 =	vadd.f32 v63, v5  }
0xe9: {  	v4 =	vand.u32 $0x7FFFFFFF, v4  }
0xea: {  	v4 =	vadd.f32 v4, v6;
	v3 =	vadd.f32 v5, v3;
	_ =	sdelay $0x1  }
0xeb: {  	s14 =	sadd.s32 $0x1, s14;
	v3 =	vadd.f32 v4, v3  }
0xec: {  	p0 =	sne.s32 s14, s7  }
.Ltmp3:
0xed: {  	[tilespmem:$0x18130] =	vst v3;
	(pc) =	sbr.rel @p0 .LBB2_1-.Ltmp3, $4  }
0xee: {  	[hbm4b:s6+s2] =	stream.linear.scatter [tilespmem:s13], [sflag:$0x2], $0x10, $0x38;
	[tilespmem:$0x18140] =	vst v63  }
0xef: {  	_ =	swait.ge [sflag:s10], $0x10  }
0xf0: {  	[sflag:s10] =	ssyncset.done $0x0  }
0xf1: {  	[sflag:s10] =	ssyncadd.s32 $0xFFFFFFF0  }
0xf2: {  	_ =	sfence.sel $0x180000  }
0xf3: {  	[bflag:$0x0] =	sbarrier.arrive $0xFFFF  }
0xf4: {  	p0 =	sne.s32 s1, $0x0;
	_ =	strace $0x90000047  }
0xf5: {  	s0 =	sadd.s32 @!p0 $0x100000, s0;
	[bflag:$0x2] =	sbarrier.arrive $0xFFFF  }
0xf6: {  	[sflag:s0] =	ssyncadd.tile.s32 @!p0 $0x1;
	_ =	shalt  }
.Lfunc_end2:
_tile_overlayer_lowered:
.L_overlay_start_2:
0xf7: {  	(tag) =	ssettag $0x2  }
0xf8: {  	s0 =	rddreg [dreg:$0x0];
	s2 =	stileid.u32  }
0xf9: {  	s1 =	rddreg [dreg:$0x1];
	p0 =	sne.s32 s2, $0x0  }
0xfa: {  	s3 =	rddreg [dreg:$0x2];
	[bflag:$0x3] =	sbarrier.arrive $0xFFFF;
	s2 =	simm.s32 @!p0 $0x1C02  }
0xfb: {  	[timem:s3], [sflag:s2] =	dma.local @!p0 [hbm:s0], s1  }
0xfc: {  	s0 =	simm.s32 @!p0 $0x2  }
0xfd: {  	_ =	swait.ge @!p0 [sflag:s0], s1  }
0xfe: {  	s1 =	ssub.s32 @!p0 $0x0, s1;
	[sflag:s0] =	ssyncset.done @!p0 $0x0  }
0xff: {  	[sflag:s0] =	ssyncadd.s32 @!p0 s1  }
0x100: {  	[bflag:$0x3] =	sbarrier.arrive $0xFFFF  }
0x101: {  	_ =	shalt  }

</sc_bundles>
